<compile_context>
chip_gen: v7x
topology: tpu7x:2x2x1
jax: 0.10.2.dev20260603
libtpu: 0.0.44.dev20260713+nightly
codegen_flags: <defaults>
</compile_context>

<pallas_src>
import functools

import jax
import jax.numpy as jnp
from jax import lax
from jax.experimental import pallas as pl
from jax.experimental.pallas import tpu as pltpu
from jax.experimental.pallas import tpu_sc as plsc

_TOPK = 64
_CHUNK = 32
_NSLOT = 80
_CAP = 64
_NC, _NS = 2, 16


def _mono_u32(x):
    u = lax.bitcast_convert_type(x, jnp.uint32)
    neg = (u >> 31).astype(jnp.bool_)
    return jnp.where(neg, ~u, u | jnp.uint32(0x80000000))


def _inv_mono_u32(m):
    pos = (m >> 31).astype(jnp.bool_)
    bits = jnp.where(pos, m & jnp.uint32(0x7FFFFFFF), ~m)
    return lax.bitcast_convert_type(bits, jnp.float32)


def _kth_prefix(u, k):

    def body(i, prefix):
        cand = prefix | (jnp.uint32(1) << (jnp.uint32(31) - i.astype(jnp.uint32)))
        cnt = jnp.sum((u >= cand).astype(jnp.float32), axis=-1, keepdims=True)
        return jnp.where(cnt >= k, cand, prefix)

    return lax.fori_loop(0, 32, body, jnp.zeros((u.shape[0], 1), jnp.uint32))



def _a_body(x_ref, cm_ref, t0_ref, *, k):
    x = x_ref[0]
    S, m = x.shape
    x3 = x.reshape(S, m // 128, 128)
    cm = jnp.concatenate(
        [jnp.max(x3[:, :, 32 * r:32 * r + 32], axis=-1) for r in range(4)],
        axis=-1)
    prefix = _kth_prefix(_mono_u32(cm), k)
    cm_ref[0] = cm
    t0_ref[0] = jnp.broadcast_to(_inv_mono_u32(prefix), (S, 16))


def _stage_a(x, k):
    C, S, m = x.shape
    nch = m // _CHUNK
    return pl.pallas_call(
        functools.partial(_a_body, k=k),
        grid=(C,),
        in_specs=[pl.BlockSpec((1, S, m), lambda c: (c, 0, 0))],
        out_specs=[pl.BlockSpec((1, S, nch), lambda c: (c, 0, 0)),
                   pl.BlockSpec((1, S, 16), lambda c: (c, 0, 0))],
        out_shape=[jax.ShapeDtypeStruct((C, S, nch), jnp.float32),
                   jax.ShapeDtypeStruct((C, S, 16), jnp.float32)],
    )(x)



def _stage_b(table, cm_flat, t0_flat):
    R = t0_flat.shape[0] // 16
    nch = cm_flat.shape[0] // R
    rpw = R // (_NC * _NS)
    qbits = (nch // 4).bit_length() - 1
    mesh = plsc.VectorSubcoreMesh(
        core_axis_name="c", subcore_axis_name="s",
        num_cores=_NC, num_subcores=_NS)

    @functools.partial(
        pl.kernel,
        out_type=[jax.ShapeDtypeStruct((R, _NSLOT, _CHUNK), jnp.float32),
                  jax.ShapeDtypeStruct((R,), jnp.int32)],
        mesh=mesh,
        compiler_params=pltpu.CompilerParams(
            use_tc_tiling_on_sc=False, needs_layout_passes=False),
        scratch_types=[pltpu.VMEM((rpw * nch,), jnp.float32),
                       pltpu.VMEM((rpw * 16,), jnp.float32),
                       pltpu.VMEM((_NSLOT,), jnp.int32),
                       pltpu.VMEM((_NSLOT, _CHUNK), jnp.float32),
                       pltpu.VMEM((rpw,), jnp.int32),
                       pltpu.SemaphoreType.DMA],
    )
    def body(table_hbm, cm_hbm, t0_hbm, compact_hbm, nsel_hbm,
             cm_v, t0_v, idx_v, rows_v, nsel_v, sem):
        wid = lax.axis_index("s") * _NC + lax.axis_index("c")
        base = wid * rpw
        pltpu.sync_copy(cm_hbm.at[pl.ds(base * nch, rpw * nch)], cm_v)
        pltpu.sync_copy(t0_hbm.at[pl.ds(base * 16, rpw * 16)], t0_v)
        lanes = jnp.arange(16, dtype=jnp.int32)

        def row_body(j, carry):
            nv0, nv1 = carry
            rgid = base + j
            cbase = rgid * nch
            t0b = t0_v[pl.ds(j * 16, 16)]
            basev = jnp.zeros((16,), jnp.int32) + cbase
            for q in range(_NSLOT // 16):
                idx_v[pl.ds(q * 16, 16)] = basev

            def scan_body(v, off):
                cmv = cm_v[pl.ds(j * nch + v * 16, 16)]
                msk = cmv >= t0b
                p = lanes + v * 16
                ids = cbase + 4 * (p & (nch // 4 - 1)) + lax.shift_right_logical(p, qbits)
                incl = plsc.cumsum(msk.astype(jnp.int32))
                pos = off + incl - msk.astype(jnp.int32)
                plsc.store_scatter(idx_v, [pos], ids, mask=msk)
                return jnp.minimum(off + jnp.max(incl), _CAP)

            nsel = lax.fori_loop(0, nch // 16, scan_body, jnp.int32(0))
            pltpu.async_copy(table_hbm.at[idx_v], rows_v, sem).wait()
            pltpu.sync_copy(rows_v, compact_hbm.at[rgid])
            nv0 = jnp.where((j < 16) & (lanes == j), nsel, nv0)
            nv1 = jnp.where((j >= 16) & (lanes == j - 16), nsel, nv1)
            return nv0, nv1

        nv0, nv1 = lax.fori_loop(
            0, rpw, row_body,
            (jnp.zeros((16,), jnp.int32), jnp.zeros((16,), jnp.int32)))
        nsel_v[pl.ds(0, 16)] = nv0
        nsel_v[pl.ds(16, 16)] = nv1
        pltpu.sync_copy(nsel_v, nsel_hbm.at[pl.ds(base, rpw)])

    return body(table, cm_flat, t0_flat)



def _stage_pre(table):
    mesh = plsc.VectorSubcoreMesh(
        core_axis_name="c", subcore_axis_name="s",
        num_cores=_NC, num_subcores=_NS)

    @functools.partial(
        pl.kernel,
        out_type=jax.ShapeDtypeStruct((_CHUNK,), jnp.float32),
        mesh=mesh,
        compiler_params=pltpu.CompilerParams(
            use_tc_tiling_on_sc=False, needs_layout_passes=False),
        scratch_types=[pltpu.VMEM((_CHUNK,), jnp.float32)],
    )
    def body(table_hbm, out_hbm, buf_v):
        wid = lax.axis_index("s") * _NC + lax.axis_index("c")

        @pl.when(wid == 0)
        def _():
            pltpu.sync_copy(table_hbm.at[0], buf_v)
            pltpu.sync_copy(buf_v, out_hbm)

    return body(table)



def _c_body(x_ref, cand_ref, nsel_ref, o_ref, *, k):
    x = x_ref[0]
    cand = cand_ref[0]
    nsel = nsel_ref[0]
    uc = _mono_u32(cand)
    pos = lax.broadcasted_iota(jnp.int32, uc.shape, 1)
    uc = jnp.where(pos < nsel * _CHUNK, uc, jnp.uint32(0))
    prefix = _kth_prefix(uc, k)
    thresh = _inv_mono_u32(prefix)
    cnt_ge = jnp.sum((uc >= prefix).astype(jnp.float32), axis=-1, keepdims=True)
    cnt_gt = jnp.sum((uc > prefix).astype(jnp.float32), axis=-1, keepdims=True)
    ge = (x >= thresh).astype(jnp.float32)
    gt = (x > thresh).astype(jnp.float32)
    need = k - cnt_gt
    ties = cnt_ge - cnt_gt
    ssum = jnp.sum(x * gt, axis=-1, keepdims=True) + need * thresh
    tieval = thresh * need / ties
    o_ref[0] = (gt * x + (ge - gt) * tieval) / (ssum + 1e-12)


def _stage_c(x, compact, nsel, k):
    C, S, m = x.shape
    w = _NSLOT * _CHUNK
    return pl.pallas_call(
        functools.partial(_c_body, k=k),
        grid=(C,),
        in_specs=[pl.BlockSpec((1, S, m), lambda c: (c, 0, 0)),
                  pl.BlockSpec((1, S, w), lambda c: (c, 0, 0)),
                  pl.BlockSpec((1, S, 1), lambda c: (c, 0, 0))],
        out_specs=pl.BlockSpec((1, S, m), lambda c: (c, 0, 0)),
        out_shape=jax.ShapeDtypeStruct((C, S, m), jnp.float32),
    )(x, compact, nsel)


def kernel(logits):
    C, S, m = logits.shape
    k = min(_TOPK, m)
    nch = m // _CHUNK
    cm, t0 = _stage_a(logits, k)
    compact, nsel = _stage_b(
        logits.reshape(C * S * nch, _CHUNK),
        cm.reshape(C * S * nch),
        t0.reshape(C * S * 16))
    return _stage_c(
        logits,
        compact.reshape(C, S, _NSLOT * _CHUNK),
        nsel.reshape(C, S, 1),
        k)

# --- scband reference (transcript-rebuilt; emitter-appended) ---
"""Pipeline reference for scband-gumbel-top-k-27255862460939 (READ-ONLY COPY).

The authoritative reference and input builder live on the scoring server;
editing this copy changes nothing except your own understanding.
"""

import jax, jax.numpy as jnp
import numpy as np

K = 64

def setup_inputs(seed: int = 0) -> dict:
    key = jax.random.key(seed)
    logits = jax.random.normal(key, (64, 16, 32768), dtype=jnp.float32)
    return {"logits": logits}

def reference(logits):
    # Eval-mode GumbelTopK: hard top-k selection along last dim, normalized to sum=1.
    C, S, m = logits.shape
    k_eff = min(K, m)
    topk_vals, topk_idx = jax.lax.top_k(logits, k_eff)
    ci = jnp.arange(C)[:, None, None]
    si = jnp.arange(S)[None, :, None]
    mask = jnp.zeros_like(logits).at[ci, si, topk_idx].set(1.0)
    topk_logits = logits * mask
    sum_topk = jnp.sum(topk_logits, axis=-1, keepdims=True) + 1e-12
    probs = topk_logits / sum_topk
    return probs

if __name__ == "__main__":
    import jax
    _d = setup_inputs()
    print(jax.jit(kernel)(*tuple(_d.values())))

</pallas_src>

<mosaic_0001>
#map = affine_map<(d0, d1) -> (0, 0)>
#map1 = affine_map<(d0, d1) -> (0)>
#map2 = affine_map<(d0, d1) -> (0, 0, 0)>
module attributes {stable_mosaic.version = 14 : i64} {
  func.func @body(%arg0: i32, %arg1: i32, %arg2: memref<1048576x32xf32, #tpu.memory_space<hbm>>, %arg3: memref<1048576xf32, #tpu.memory_space<hbm>>, %arg4: memref<16384xf32, #tpu.memory_space<hbm>>, %arg5: memref<1024x80x32xf32, #tpu.memory_space<hbm>>, %arg6: memref<1024xi32, #tpu.memory_space<hbm>>, %arg7: memref<32768xf32, #tpu.memory_space<vmem>>, %arg8: memref<512xf32, #tpu.memory_space<vmem>>, %arg9: memref<80xi32, #tpu.memory_space<vmem>>, %arg10: memref<80x32xf32, #tpu.memory_space<vmem>>, %arg11: memref<32xi32, #tpu.memory_space<vmem>>, %arg12: memref<!tpu.dma_semaphore, #tpu.memory_space<semaphore_mem>>) attributes {dimension_semantics = [#tpu.dimension_semantics<core_parallel>, #tpu.dimension_semantics<subcore_parallel>], iteration_bounds = array<i64: 2, 16>, scalar_prefetch = 0 : i64, scratch_operands = 6 : i64, tpu.core_type = #tpu.core_type<sc_vector_subcore>, window_params = [{transform_indices = #map}, {transform_indices = #map1}, {transform_indices = #map1}, {transform_indices = #map2}, {transform_indices = #map1}]} {
    %mul3A = arith.constant 2 : i32
    %mul3A_0 = arith.muli %arg1, %mul3A : i32
    %add3A = arith.addi %mul3A_0, %arg0 : i32
    %mul3A_1 = arith.constant 32 : i32
    %mul3A_2 = arith.muli %add3A, %mul3A_1 : i32
    %mul3A_3 = arith.constant 1024 : i32
    %mul3A_4 = arith.muli %mul3A_2, %mul3A_3 : i32
    "tpu.region"() ({
      %run_scoped3A = tpu.sem_alloc : memref<!tpu.dma_semaphore, #tpu.memory_space<semaphore_mem>>
      %dma_start3A = tpu.memref_slice %arg3[%mul3A_4] : memref<1048576xf32, #tpu.memory_space<hbm>> -> memref<32768xf32, #tpu.memory_space<hbm>>
      %dma_start3A_18 = tpu.memref_slice %arg3[%mul3A_4] : memref<1048576xf32, #tpu.memory_space<hbm>> -> memref<32768xf32, #tpu.memory_space<hbm>>
      tpu.enqueue_dma source(%dma_start3A_18 : memref<32768xf32, #tpu.memory_space<hbm>>) target(%arg7 : memref<32768xf32, #tpu.memory_space<vmem>>) target_semaphore(%run_scoped3A : memref<!tpu.dma_semaphore, #tpu.memory_space<semaphore_mem>>)
      %dma_wait3A = tpu.memref_slice %arg3[%mul3A_4] : memref<1048576xf32, #tpu.memory_space<hbm>> -> memref<32768xf32, #tpu.memory_space<hbm>>
      %dma_wait3A_19 = tpu.memref_slice %arg3[%mul3A_4] : memref<1048576xf32, #tpu.memory_space<hbm>> -> memref<32768xf32, #tpu.memory_space<hbm>>
      tpu.wait_dma2 semaphore(%run_scoped3A : memref<!tpu.dma_semaphore, #tpu.memory_space<semaphore_mem>>) src(%dma_wait3A_19 : memref<32768xf32, #tpu.memory_space<hbm>>) dst(%arg7 : memref<32768xf32, #tpu.memory_space<vmem>>)
      tpu.yield
    }) : () -> ()
    %mul3A_5 = arith.constant 16 : i32
    %mul3A_6 = arith.muli %mul3A_2, %mul3A_5 : i32
    "tpu.region"() ({
      %run_scoped3A = tpu.sem_alloc : memref<!tpu.dma_semaphore, #tpu.memory_space<semaphore_mem>>
      %dma_start3A = tpu.memref_slice %arg4[%mul3A_6] : memref<16384xf32, #tpu.memory_space<hbm>> -> memref<512xf32, #tpu.memory_space<hbm>>
      %dma_start3A_18 = tpu.memref_slice %arg4[%mul3A_6] : memref<16384xf32, #tpu.memory_space<hbm>> -> memref<512xf32, #tpu.memory_space<hbm>>
      tpu.enqueue_dma source(%dma_start3A_18 : memref<512xf32, #tpu.memory_space<hbm>>) target(%arg8 : memref<512xf32, #tpu.memory_space<vmem>>) target_semaphore(%run_scoped3A : memref<!tpu.dma_semaphore, #tpu.memory_space<semaphore_mem>>)
      %dma_wait3A = tpu.memref_slice %arg4[%mul3A_6] : memref<16384xf32, #tpu.memory_space<hbm>> -> memref<512xf32, #tpu.memory_space<hbm>>
      %dma_wait3A_19 = tpu.memref_slice %arg4[%mul3A_6] : memref<16384xf32, #tpu.memory_space<hbm>> -> memref<512xf32, #tpu.memory_space<hbm>>
      tpu.wait_dma2 semaphore(%run_scoped3A : memref<!tpu.dma_semaphore, #tpu.memory_space<semaphore_mem>>) src(%dma_wait3A_19 : memref<512xf32, #tpu.memory_space<hbm>>) dst(%arg8 : memref<512xf32, #tpu.memory_space<vmem>>)
      tpu.yield
    }) : () -> ()
    %iota3A = tpu.iota {dimensions = array<i32: 0>} : vector<16xi32>
    %broadcast_in_dim3A = arith.constant 0 : i32
    %broadcast_in_dim3A_7 = vector.broadcast %broadcast_in_dim3A : i32 to vector<16xi32>
    %broadcast_in_dim3A_8 = arith.constant 0 : i32
    %broadcast_in_dim3A_9 = vector.broadcast %broadcast_in_dim3A_8 : i32 to vector<16xi32>
    %scan3A = arith.constant 0 : i32
    %scan3A_10 = arith.constant 32 : i32
    %scan3A_11 = arith.addi %scan3A, %scan3A_10 : i32
    %scan3A_12 = arith.constant 1 : i32
    %scan3A_13:2 = scf.for %scan3A_18 = %scan3A to %scan3A_11 step %scan3A_12 iter_args(%scan3A_19 = %broadcast_in_dim3A_7, %scan3A_20 = %broadcast_in_dim3A_9) -> (vector<16xi32>, vector<16xi32>)  : i32 {
      %add3A_21 = arith.addi %mul3A_2, %scan3A_18 : i32
      %mul3A_22 = arith.constant 1024 : i32
      %mul3A_23 = arith.muli %add3A_21, %mul3A_22 : i32
      %mul3A_24 = arith.constant 16 : i32
      %mul3A_25 = arith.muli %scan3A_18, %mul3A_24 : i32
      %get3A = arith.index_cast %mul3A_25 : i32 to index
      %get3A_26 = tpu.vector_load %arg8[%get3A] {strides = array<i32>} : memref<512xf32, #tpu.memory_space<vmem>>, vector<16xf32>,
      %broadcast_in_dim3A_27 = arith.constant 0 : i32
      %broadcast_in_dim3A_28 = vector.broadcast %broadcast_in_dim3A_27 : i32 to vector<16xi32>
      %add3A_29 = vector.broadcast %mul3A_23 : i32 to vector<16xi32>
      %add3A_30 = arith.addi %broadcast_in_dim3A_28, %add3A_29 : vector<16xi32>
      %swap3A_31 = arith.constant 0 : index
      %swap3A_32 = tpu.vector_load %arg9[%swap3A_31] {strides = array<i32>} : memref<80xi32, #tpu.memory_space<vmem>>, vector<16xi32>,
      tpu.vector_store %arg9[%swap3A_31], %add3A_30 {strides = array<i32>} : memref<80xi32, #tpu.memory_space<vmem>>, vector<16xi32>,
      %swap3A_33 = arith.constant 16 : index
      %swap3A_34 = tpu.vector_load %arg9[%swap3A_33] {strides = array<i32>} : memref<80xi32, #tpu.memory_space<vmem>>, vector<16xi32>,
      tpu.vector_store %arg9[%swap3A_33], %add3A_30 {strides = array<i32>} : memref<80xi32, #tpu.memory_space<vmem>>, vector<16xi32>,
      %swap3A_35 = arith.constant 32 : index
      %swap3A_36 = tpu.vector_load %arg9[%swap3A_35] {strides = array<i32>} : memref<80xi32, #tpu.memory_space<vmem>>, vector<16xi32>,
      tpu.vector_store %arg9[%swap3A_35], %add3A_30 {strides = array<i32>} : memref<80xi32, #tpu.memory_space<vmem>>, vector<16xi32>,
      %swap3A_37 = arith.constant 48 : index
      %swap3A_38 = tpu.vector_load %arg9[%swap3A_37] {strides = array<i32>} : memref<80xi32, #tpu.memory_space<vmem>>, vector<16xi32>,
      tpu.vector_store %arg9[%swap3A_37], %add3A_30 {strides = array<i32>} : memref<80xi32, #tpu.memory_space<vmem>>, vector<16xi32>,
      %swap3A_39 = arith.constant 64 : index
      %swap3A_40 = tpu.vector_load %arg9[%swap3A_39] {strides = array<i32>} : memref<80xi32, #tpu.memory_space<vmem>>, vector<16xi32>,
      tpu.vector_store %arg9[%swap3A_39], %add3A_30 {strides = array<i32>} : memref<80xi32, #tpu.memory_space<vmem>>, vector<16xi32>,
      %scan3A_41 = arith.constant 0 : i32
      %scan3A_42 = arith.constant 0 : i32
      %scan3A_43 = arith.constant 64 : i32
      %scan3A_44 = arith.addi %scan3A_42, %scan3A_43 : i32
      %scan3A_45 = arith.constant 1 : i32
      %scan3A_46 = scf.for %scan3A_64 = %scan3A_42 to %scan3A_44 step %scan3A_45 iter_args(%scan3A_65 = %scan3A_41) -> (i32)  : i32 {
        %mul3A_66 = arith.constant 1024 : i32
        %mul3A_67 = arith.muli %scan3A_18, %mul3A_66 : i32
        %mul3A_68 = arith.constant 16 : i32
        %mul3A_69 = arith.muli %scan3A_64, %mul3A_68 : i32
        %add3A_70 = arith.addi %mul3A_67, %mul3A_69 : i32
        %get3A_71 = arith.index_cast %add3A_70 : i32 to index
        %get3A_72 = tpu.vector_load %arg7[%get3A_71] {strides = array<i32>} : memref<32768xf32, #tpu.memory_space<vmem>>, vector<16xf32>,
        %ge3A_73 = arith.cmpf oge, %get3A_72, %get3A_26 : vector<16xf32>
        %mul3A_74 = arith.constant 16 : i32
        %mul3A_75 = arith.muli %scan3A_64, %mul3A_74 : i32
        %add3A_76 = vector.broadcast %mul3A_75 : i32 to vector<16xi32>
        %add3A_77 = arith.addi %iota3A, %add3A_76 : vector<16xi32>
        %and3A_78 = arith.constant 255 : i32
        %and3A_79 = vector.broadcast %and3A_78 : i32 to vector<16xi32>
        %and3A_80 = arith.andi %add3A_77, %and3A_79 : vector<16xi32>
        %mul3A_81 = arith.constant 4 : i32
        %mul3A_82 = vector.broadcast %mul3A_81 : i32 to vector<16xi32>
        %mul3A_83 = arith.muli %mul3A_82, %and3A_80 : vector<16xi32>
        %add3A_84 = vector.broadcast %mul3A_23 : i32 to vector<16xi32>
        %add3A_85 = arith.addi %add3A_84, %mul3A_83 : vector<16xi32>
        %shift_right_logical3A = arith.constant 8 : i32
        %shift_right_logical3A_86 = vector.broadcast %shift_right_logical3A : i32 to vector<16xi32>
        %shift_right_logical3A_87 = arith.shrui %add3A_77, %shift_right_logical3A_86 : vector<16xi32>
        %add3A_88 = arith.addi %add3A_85, %shift_right_logical3A_87 : vector<16xi32>
        %convert_element_type3A = arith.extui %ge3A_73 : vector<16xi1> to vector<16xi32>
        %broadcast_in_dim3A_89 = arith.constant true
        %broadcast_in_dim3A_90 = vector.broadcast %broadcast_in_dim3A_89 : i1 to vector<16xi1>
        %masked_cumsum3A = tpu.scan <sum>, %convert_element_type3A masked %broadcast_in_dim3A_90 : vector<16xi32>, vector<16xi1> -> vector<16xi32>
        %add3A_91 = vector.broadcast %scan3A_65 : i32 to vector<16xi32>
        %add3A_92 = arith.addi %add3A_91, %masked_cumsum3A : vector<16xi32>
        %convert_element_type3A_93 = arith.extui %ge3A_73 : vector<16xi1> to vector<16xi32>
        %sub3A_94 = arith.subi %add3A_92, %convert_element_type3A_93 : vector<16xi32>
        tpu.vector_store_idx %arg9[%sub3A_94], %add3A_88 masked %ge3A_73 : memref<80xi32, #tpu.memory_space<vmem>>[vector<16xi32>], vector<16xi32>, vector<16xi1>
        %reduce_max3A = arith.constant true
        %reduce_max3A_95 = vector.broadcast %reduce_max3A : i1 to vector<16xi1>
        %reduce_max3A_96 = arith.constant -2147483648 : i32
        %reduce_max3A_97 = vector.broadcast %reduce_max3A_96 : i32 to vector<16xi32>
        %reduce_max3A_98 = arith.xori %masked_cumsum3A, %reduce_max3A_97 : vector<16xi32>
        %reduce_max3A_99 = tpu.scan <max>, %reduce_max3A_98 masked %reduce_max3A_95 : vector<16xi32>, vector<16xi1> -> vector<16xi32>
        %reduce_max3A_100 = arith.xori %reduce_max3A_99, %reduce_max3A_97 : vector<16xi32>
        %reduce_max3A_101 = vector.extract %reduce_max3A_100[15] : i32 from vector<16xi32>
        %add3A_102 = arith.addi %scan3A_65, %reduce_max3A_101 : i32
        %min3A = arith.constant 64 : i32
        %min3A_103 = arith.minsi %add3A_102, %min3A : i32
        scf.yield %min3A_103 : i32
      }
      %scan3A_47 = arith.constant 64 : i32
      %dma_start3A = arith.constant 0 : i32
      %dma_start3A_48 = arith.constant 0 : i32
      %dma_start3A_49 = tpu.memref_slice %arg2[%dma_start3A, %dma_start3A_48] : memref<1048576x32xf32, #tpu.memory_space<hbm>> -> memref<1048576x32xf32, #tpu.memory_space<hbm>>
      tpu.enqueue_indirect_dma source(%dma_start3A_49 : memref<1048576x32xf32, #tpu.memory_space<hbm>>) target(%arg10 : memref<80x32xf32, #tpu.memory_space<vmem>>) offsets(%arg9 : memref<80xi32, #tpu.memory_space<vmem>>) semaphore(%arg12 : memref<!tpu.dma_semaphore, #tpu.memory_space<semaphore_mem>>)
      %dma_wait3A = arith.constant 0 : i32
      %dma_wait3A_50 = arith.constant 0 : i32
      %dma_wait3A_51 = tpu.memref_slice %arg2[%dma_wait3A, %dma_wait3A_50] : memref<1048576x32xf32, #tpu.memory_space<hbm>> -> memref<1048576x32xf32, #tpu.memory_space<hbm>>
      tpu.wait_indirect_dma semaphore(%arg12 : memref<!tpu.dma_semaphore, #tpu.memory_space<semaphore_mem>>) src(%dma_wait3A_51 : memref<1048576x32xf32, #tpu.memory_space<hbm>>) dst(%arg10 : memref<80x32xf32, #tpu.memory_space<vmem>>)
      "tpu.region"() ({
        %run_scoped3A = tpu.sem_alloc : memref<!tpu.dma_semaphore, #tpu.memory_space<semaphore_mem>>
        %dma_start3A_64 = arith.constant 0 : i32
        %dma_start3A_65 = arith.constant 0 : i32
        %dma_start3A_66 = tpu.memref_slice %arg5[%add3A_21, %dma_start3A_64, %dma_start3A_65] : memref<1024x80x32xf32, #tpu.memory_space<hbm>> -> memref<1x80x32xf32, #tpu.memory_space<hbm>>
        %dma_start3A_67 = tpu.memref_squeeze %dma_start3A_66 : memref<1x80x32xf32, #tpu.memory_space<hbm>> -> memref<80x32xf32, #tpu.memory_space<hbm>>
        %dma_start3A_68 = arith.constant 0 : i32
        %dma_start3A_69 = arith.constant 0 : i32
        %dma_start3A_70 = tpu.memref_slice %arg5[%add3A_21, %dma_start3A_68, %dma_start3A_69] : memref<1024x80x32xf32, #tpu.memory_space<hbm>> -> memref<1x80x32xf32, #tpu.memory_space<hbm>>
        %dma_start3A_71 = tpu.memref_squeeze %dma_start3A_70 : memref<1x80x32xf32, #tpu.memory_space<hbm>> -> memref<80x32xf32, #tpu.memory_space<hbm>>
        tpu.enqueue_dma source(%arg10 : memref<80x32xf32, #tpu.memory_space<vmem>>) target(%dma_start3A_71 : memref<80x32xf32, #tpu.memory_space<hbm>>) target_semaphore(%run_scoped3A : memref<!tpu.dma_semaphore, #tpu.memory_space<semaphore_mem>>)
        %dma_wait3A_72 = arith.constant 0 : i32
        %dma_wait3A_73 = arith.constant 0 : i32
        %dma_wait3A_74 = tpu.memref_slice %arg5[%add3A_21, %dma_wait3A_72, %dma_wait3A_73] : memref<1024x80x32xf32, #tpu.memory_space<hbm>> -> memref<1x80x32xf32, #tpu.memory_space<hbm>>
        %dma_wait3A_75 = tpu.memref_squeeze %dma_wait3A_74 : memref<1x80x32xf32, #tpu.memory_space<hbm>> -> memref<80x32xf32, #tpu.memory_space<hbm>>
        %dma_wait3A_76 = arith.constant 0 : i32
        %dma_wait3A_77 = arith.constant 0 : i32
        %dma_wait3A_78 = tpu.memref_slice %arg5[%add3A_21, %dma_wait3A_76, %dma_wait3A_77] : memref<1024x80x32xf32, #tpu.memory_space<hbm>> -> memref<1x80x32xf32, #tpu.memory_space<hbm>>
        %dma_wait3A_79 = tpu.memref_squeeze %dma_wait3A_78 : memref<1x80x32xf32, #tpu.memory_space<hbm>> -> memref<80x32xf32, #tpu.memory_space<hbm>>
        tpu.wait_dma2 semaphore(%run_scoped3A : memref<!tpu.dma_semaphore, #tpu.memory_space<semaphore_mem>>) src(%arg10 : memref<80x32xf32, #tpu.memory_space<vmem>>) dst(%dma_wait3A_79 : memref<80x32xf32, #tpu.memory_space<hbm>>)
        tpu.yield
      }) : () -> ()
      %lt3A = arith.constant 16 : i32
      %lt3A_52 = arith.cmpi slt, %scan3A_18, %lt3A : i32
      %eq3A = vector.broadcast %scan3A_18 : i32 to vector<16xi32>
      %eq3A_53 = arith.cmpi eq, %iota3A, %eq3A : vector<16xi32>
      %and3A = vector.broadcast %lt3A_52 : i1 to vector<16xi1>
      %and3A_54 = arith.andi %and3A, %eq3A_53 : vector<16xi1>
      %broadcast_in_dim3A_55 = vector.broadcast %scan3A_46 : i32 to vector<16xi32>
      %select_n3A = arith.select %and3A_54, %broadcast_in_dim3A_55, %scan3A_19 : vector<16xi1>, vector<16xi32>
      %ge3A = arith.constant 16 : i32
      %ge3A_56 = arith.cmpi sge, %scan3A_18, %ge3A : i32
      %sub3A = arith.constant 16 : i32
      %sub3A_57 = arith.subi %scan3A_18, %sub3A : i32
      %eq3A_58 = vector.broadcast %sub3A_57 : i32 to vector<16xi32>
      %eq3A_59 = arith.cmpi eq, %iota3A, %eq3A_58 : vector<16xi32>
      %and3A_60 = vector.broadcast %ge3A_56 : i1 to vector<16xi1>
      %and3A_61 = arith.andi %and3A_60, %eq3A_59 : vector<16xi1>
      %broadcast_in_dim3A_62 = vector.broadcast %scan3A_46 : i32 to vector<16xi32>
      %select_n3A_63 = arith.select %and3A_61, %broadcast_in_dim3A_62, %scan3A_20 : vector<16xi1>, vector<16xi32>
      scf.yield %select_n3A, %select_n3A_63 : vector<16xi32>, vector<16xi32>
    }
    %scan3A_14 = arith.constant 32 : i32
    %swap3A = arith.constant 0 : index
    %swap3A_15 = tpu.vector_load %arg11[%swap3A] {strides = array<i32>} : memref<32xi32, #tpu.memory_space<vmem>>, vector<16xi32>,
    tpu.vector_store %arg11[%swap3A], %scan3A_13#0 {strides = array<i32>} : memref<32xi32, #tpu.memory_space<vmem>>, vector<16xi32>,
    %swap3A_16 = arith.constant 16 : index
    %swap3A_17 = tpu.vector_load %arg11[%swap3A_16] {strides = array<i32>} : memref<32xi32, #tpu.memory_space<vmem>>, vector<16xi32>,
    tpu.vector_store %arg11[%swap3A_16], %scan3A_13#1 {strides = array<i32>} : memref<32xi32, #tpu.memory_space<vmem>>, vector<16xi32>,
    "tpu.region"() ({
      %run_scoped3A = tpu.sem_alloc : memref<!tpu.dma_semaphore, #tpu.memory_space<semaphore_mem>>
      %dma_start3A = tpu.memref_slice %arg6[%mul3A_2] : memref<1024xi32, #tpu.memory_space<hbm>> -> memref<32xi32, #tpu.memory_space<hbm>>
      %dma_start3A_18 = tpu.memref_slice %arg6[%mul3A_2] : memref<1024xi32, #tpu.memory_space<hbm>> -> memref<32xi32, #tpu.memory_space<hbm>>
      tpu.enqueue_dma source(%arg11 : memref<32xi32, #tpu.memory_space<vmem>>) target(%dma_start3A_18 : memref<32xi32, #tpu.memory_space<hbm>>) target_semaphore(%run_scoped3A : memref<!tpu.dma_semaphore, #tpu.memory_space<semaphore_mem>>)
      %dma_wait3A = tpu.memref_slice %arg6[%mul3A_2] : memref<1024xi32, #tpu.memory_space<hbm>> -> memref<32xi32, #tpu.memory_space<hbm>>
      %dma_wait3A_19 = tpu.memref_slice %arg6[%mul3A_2] : memref<1024xi32, #tpu.memory_space<hbm>> -> memref<32xi32, #tpu.memory_space<hbm>>
      tpu.wait_dma2 semaphore(%run_scoped3A : memref<!tpu.dma_semaphore, #tpu.memory_space<semaphore_mem>>) src(%arg11 : memref<32xi32, #tpu.memory_space<vmem>>) dst(%dma_wait3A_19 : memref<32xi32, #tpu.memory_space<hbm>>)
      tpu.yield
    }) : () -> ()
    return
  }
}

module attributes {stable_mosaic.version = 14 : i64} {
  func.func @_a_body(%arg0: i32, %arg1: memref<1x16x32768xf32, #tpu.memory_space<vmem>>, %arg2: memref<1x16x1024xf32, #tpu.memory_space<vmem>>, %arg3: memref<1x16x16xf32, #tpu.memory_space<vmem>>) attributes {dimension_semantics = [#tpu.dimension_semantics<arbitrary>], iteration_bounds = array<i64: 64>, scalar_prefetch = 0 : i64, scratch_operands = 0 : i64, tpu.core_type = #tpu.core_type<tc>, window_params = [{transform_indices = @transform_0, window_bounds = array<i64: 1, 16, 32768>}, {transform_indices = @transform_1, window_bounds = array<i64: 1, 16, 1024>}, {transform_indices = @transform_2, window_bounds = array<i64: 1, 16, 16>}]} {
    %get3A = arith.constant 0 : index
    %get3A_0 = arith.constant 0 : index
    %get3A_1 = arith.constant 0 : index
    %get3A_2 = vector.load %arg1[%get3A, %get3A_0, %get3A_1] : memref<1x16x32768xf32, #tpu.memory_space<vmem>>, vector<1x16x32768xf32>
    %get3A_3 = vector.shape_cast %get3A_2 : vector<1x16x32768xf32> to vector<16x32768xf32>
    %reshape3A = vector.shape_cast %get3A_3 : vector<16x32768xf32> to vector<16x256x128xf32>
    %slice3A = vector.extract_strided_slice %reshape3A {offsets = [0, 0, 0], sizes = [16, 256, 32], strides = [1, 1, 1]} : vector<16x256x128xf32> to vector<16x256x32xf32>
    %reduce_max3A = arith.constant dense<0xFF800000> : vector<16x256xf32>
    %reduce_max3A_4 = vector.multi_reduction <maximumf>, %slice3A, %reduce_max3A [2] : vector<16x256x32xf32> to vector<16x256xf32>
    %slice3A_5 = vector.extract_strided_slice %reshape3A {offsets = [0, 0, 32], sizes = [16, 256, 32], strides = [1, 1, 1]} : vector<16x256x128xf32> to vector<16x256x32xf32>
    %reduce_max3A_6 = arith.constant dense<0xFF800000> : vector<16x256xf32>
    %reduce_max3A_7 = vector.multi_reduction <maximumf>, %slice3A_5, %reduce_max3A_6 [2] : vector<16x256x32xf32> to vector<16x256xf32>
    %slice3A_8 = vector.extract_strided_slice %reshape3A {offsets = [0, 0, 64], sizes = [16, 256, 32], strides = [1, 1, 1]} : vector<16x256x128xf32> to vector<16x256x32xf32>
    %reduce_max3A_9 = arith.constant dense<0xFF800000> : vector<16x256xf32>
    %reduce_max3A_10 = vector.multi_reduction <maximumf>, %slice3A_8, %reduce_max3A_9 [2] : vector<16x256x32xf32> to vector<16x256xf32>
    %slice3A_11 = vector.extract_strided_slice %reshape3A {offsets = [0, 0, 96], sizes = [16, 256, 32], strides = [1, 1, 1]} : vector<16x256x128xf32> to vector<16x256x32xf32>
    %reduce_max3A_12 = arith.constant dense<0xFF800000> : vector<16x256xf32>
    %reduce_max3A_13 = vector.multi_reduction <maximumf>, %slice3A_11, %reduce_max3A_12 [2] : vector<16x256x32xf32> to vector<16x256xf32>
    %concatenate3A = tpu.concatenate %reduce_max3A_4, %reduce_max3A_7, %reduce_max3A_10, %reduce_max3A_13 in 1 : vector<16x256xf32>, vector<16x256xf32>, vector<16x256xf32>, vector<16x256xf32> -> vector<16x1024xf32>
    %bitcast_convert_type3A = tpu.bitcast %concatenate3A : vector<16x1024xf32> -> vector<16x1024xi32>
    %shift_right_logical3A = arith.constant 31 : i32
    %shift_right_logical3A_14 = vector.broadcast %shift_right_logical3A : i32 to vector<16x1024xi32>
    %shift_right_logical3A_15 = arith.shrui %bitcast_convert_type3A, %shift_right_logical3A_14 : vector<16x1024xi32>
    %convert_element_type3A = arith.constant 0 : i32
    %convert_element_type3A_16 = vector.broadcast %convert_element_type3A : i32 to vector<16x1024xi32>
    %convert_element_type3A_17 = arith.cmpi ne, %shift_right_logical3A_15, %convert_element_type3A_16 : vector<16x1024xi32>
    %not3A = arith.constant dense<-1> : vector<16x1024xi32>
    %not3A_18 = arith.xori %bitcast_convert_type3A, %not3A : vector<16x1024xi32>
    %or3A = arith.constant -2147483648 : i32
    %or3A_19 = vector.broadcast %or3A : i32 to vector<16x1024xi32>
    %or3A_20 = arith.ori %bitcast_convert_type3A, %or3A_19 : vector<16x1024xi32>
    %select_n3A = arith.select %convert_element_type3A_17, %not3A_18, %or3A_20 : vector<16x1024xi1>, vector<16x1024xi32>
    %broadcast_in_dim3A = arith.constant 0 : i32
    %broadcast_in_dim3A_21 = vector.broadcast %broadcast_in_dim3A : i32 to vector<16x1xi32>
    %scan3A = arith.constant 0 : i32
    %scan3A_22 = arith.constant 32 : i32
    %scan3A_23 = arith.addi %scan3A, %scan3A_22 : i32
    %scan3A_24 = arith.constant 1 : i32
    %scan3A_25 = scf.for %scan3A_52 = %scan3A to %scan3A_23 step %scan3A_24 iter_args(%scan3A_53 = %broadcast_in_dim3A_21) -> (vector<16x1xi32>)  : i32 {
      %sub3A = arith.constant 31 : i32
      %sub3A_54 = arith.subi %sub3A, %scan3A_52 : i32
      %shift_left3A = arith.constant 1 : i32
      %shift_left3A_55 = arith.shli %shift_left3A, %sub3A_54 : i32
      %or3A_56 = vector.broadcast %shift_left3A_55 : i32 to vector<16x1xi32>
      %or3A_57 = arith.ori %scan3A_53, %or3A_56 : vector<16x1xi32>
      %ge3A = vector.broadcast %or3A_57 : vector<16x1xi32> to vector<16x1024xi32>
      %ge3A_58 = arith.cmpi uge, %select_n3A, %ge3A : vector<16x1024xi32>
      %convert_element_type3A_59 = arith.extui %ge3A_58 : vector<16x1024xi1> to vector<16x1024xi32>
      %convert_element_type3A_60 = arith.sitofp %convert_element_type3A_59 : vector<16x1024xi32> to vector<16x1024xf32>
      %reduce_sum3A = arith.constant dense<0.000000e+00> : vector<16xf32>
      %reduce_sum3A_61 = vector.multi_reduction <add>, %convert_element_type3A_60, %reduce_sum3A [1] : vector<16x1024xf32> to vector<16xf32>
      %broadcast_in_dim3A_62 = vector.shape_cast %reduce_sum3A_61 : vector<16xf32> to vector<16x1xf32>
      %ge3A_63 = arith.constant 6.400000e+01 : f32
      %ge3A_64 = vector.broadcast %ge3A_63 : f32 to vector<16x1xf32>
      %ge3A_65 = arith.cmpf oge, %broadcast_in_dim3A_62, %ge3A_64 : vector<16x1xf32>
      %select_n3A_66 = arith.select %ge3A_65, %or3A_57, %scan3A_53 : vector<16x1xi1>, vector<16x1xi32>
      scf.yield %select_n3A_66 : vector<16x1xi32>
    }
    %scan3A_26 = arith.constant 32 : i32
    %swap3A = arith.constant 0 : index
    %swap3A_27 = arith.constant 0 : index
    %swap3A_28 = arith.constant 0 : index
    %swap3A_29 = vector.load %arg2[%swap3A, %swap3A_27, %swap3A_28] : memref<1x16x1024xf32, #tpu.memory_space<vmem>>, vector<1x16x1024xf32>
    %swap3A_30 = vector.shape_cast %swap3A_29 : vector<1x16x1024xf32> to vector<16x1024xf32>
    %swap3A_31 = vector.shape_cast %concatenate3A : vector<16x1024xf32> to vector<1x16x1024xf32>
    tpu.vector_store %arg2[%swap3A, %swap3A_27, %swap3A_28], %swap3A_31 {strides = array<i32>} : memref<1x16x1024xf32, #tpu.memory_space<vmem>>, vector<1x16x1024xf32>,
    %shift_right_logical3A_32 = arith.constant 31 : i32
    %shift_right_logical3A_33 = vector.broadcast %shift_right_logical3A_32 : i32 to vector<16x1xi32>
    %shift_right_logical3A_34 = arith.shrui %scan3A_25, %shift_right_logical3A_33 : vector<16x1xi32>
    %convert_element_type3A_35 = arith.constant 0 : i32
    %convert_element_type3A_36 = vector.broadcast %convert_element_type3A_35 : i32 to vector<16x1xi32>
    %convert_element_type3A_37 = arith.cmpi ne, %shift_right_logical3A_34, %convert_element_type3A_36 : vector<16x1xi32>
    %and3A = arith.constant 2147483647 : i32
    %and3A_38 = vector.broadcast %and3A : i32 to vector<16x1xi32>
    %and3A_39 = arith.andi %scan3A_25, %and3A_38 : vector<16x1xi32>
    %not3A_40 = arith.constant dense<-1> : vector<16x1xi32>
    %not3A_41 = arith.xori %scan3A_25, %not3A_40 : vector<16x1xi32>
    %select_n3A_42 = arith.select %convert_element_type3A_37, %and3A_39, %not3A_41 : vector<16x1xi1>, vector<16x1xi32>
    %bitcast_convert_type3A_43 = tpu.bitcast %select_n3A_42 : vector<16x1xi32> -> vector<16x1xf32>
    %broadcast_in_dim3A_44 = vector.shape_cast %bitcast_convert_type3A_43 : vector<16x1xf32> to vector<16x1xf32>
    %broadcast_in_dim3A_45 = vector.broadcast %broadcast_in_dim3A_44 : vector<16x1xf32> to vector<16x16xf32>
    %swap3A_46 = arith.constant 0 : index
    %swap3A_47 = arith.constant 0 : index
    %swap3A_48 = arith.constant 0 : index
    %swap3A_49 = vector.load %arg3[%swap3A_46, %swap3A_47, %swap3A_48] : memref<1x16x16xf32, #tpu.memory_space<vmem>>, vector<1x16x16xf32>
    %swap3A_50 = vector.shape_cast %swap3A_49 : vector<1x16x16xf32> to vector<16x16xf32>
    %swap3A_51 = vector.shape_cast %broadcast_in_dim3A_45 : vector<16x16xf32> to vector<1x16x16xf32>
    tpu.vector_store %arg3[%swap3A_46, %swap3A_47, %swap3A_48], %swap3A_51 {strides = array<i32>} : memref<1x16x16xf32, #tpu.memory_space<vmem>>, vector<1x16x16xf32>,
    return
  }
  func.func @transform_0(%arg0: i32) -> (i32, i32, i32) {
    %c0_i32 = arith.constant 0 : i32
    %c0_i32_0 = arith.constant 0 : i32
    %c0_i32_1 = arith.constant 0 : i32
    return %arg0, %c0_i32, %c0_i32_0 : i32, i32, i32
  }
  func.func @transform_1(%arg0: i32) -> (i32, i32, i32) {
    %c0_i32 = arith.constant 0 : i32
    %c0_i32_0 = arith.constant 0 : i32
    %c0_i32_1 = arith.constant 0 : i32
    return %arg0, %c0_i32, %c0_i32_0 : i32, i32, i32
  }
  func.func @transform_2(%arg0: i32) -> (i32, i32, i32) {
    %c0_i32 = arith.constant 0 : i32
    %c0_i32_0 = arith.constant 0 : i32
    %c0_i32_1 = arith.constant 0 : i32
    return %arg0, %c0_i32, %c0_i32_0 : i32, i32, i32
  }
}

module attributes {stable_mosaic.version = 14 : i64} {
  func.func @_c_body(%arg0: i32, %arg1: memref<1x16x32768xf32, #tpu.memory_space<vmem>>, %arg2: memref<1x16x2560xf32, #tpu.memory_space<vmem>>, %arg3: memref<1x16x1xi32, #tpu.memory_space<vmem>>, %arg4: memref<1x16x32768xf32, #tpu.memory_space<vmem>>) attributes {dimension_semantics = [#tpu.dimension_semantics<arbitrary>], iteration_bounds = array<i64: 64>, scalar_prefetch = 0 : i64, scratch_operands = 0 : i64, tpu.core_type = #tpu.core_type<tc>, window_params = [{transform_indices = @transform_0, window_bounds = array<i64: 1, 16, 32768>}, {transform_indices = @transform_1, window_bounds = array<i64: 1, 16, 2560>}, {transform_indices = @transform_2, window_bounds = array<i64: 1, 16, 1>}, {transform_indices = @transform_3, window_bounds = array<i64: 1, 16, 32768>}]} {
    %get3A = arith.constant 0 : index
    %get3A_0 = arith.constant 0 : index
    %get3A_1 = arith.constant 0 : index
    %get3A_2 = vector.load %arg1[%get3A, %get3A_0, %get3A_1] : memref<1x16x32768xf32, #tpu.memory_space<vmem>>, vector<1x16x32768xf32>
    %get3A_3 = vector.shape_cast %get3A_2 : vector<1x16x32768xf32> to vector<16x32768xf32>
    %get3A_4 = arith.constant 0 : index
    %get3A_5 = arith.constant 0 : index
    %get3A_6 = arith.constant 0 : index
    %get3A_7 = vector.load %arg2[%get3A_4, %get3A_5, %get3A_6] : memref<1x16x2560xf32, #tpu.memory_space<vmem>>, vector<1x16x2560xf32>
    %get3A_8 = vector.shape_cast %get3A_7 : vector<1x16x2560xf32> to vector<16x2560xf32>
    %get3A_9 = arith.constant 0 : index
    %get3A_10 = arith.constant 0 : index
    %get3A_11 = arith.constant 0 : index
    %get3A_12 = vector.load %arg3[%get3A_9, %get3A_10, %get3A_11] : memref<1x16x1xi32, #tpu.memory_space<vmem>>, vector<1x16x1xi32>
    %get3A_13 = vector.shape_cast %get3A_12 : vector<1x16x1xi32> to vector<16x1xi32>
    %bitcast_convert_type3A = tpu.bitcast %get3A_8 : vector<16x2560xf32> -> vector<16x2560xi32>
    %shift_right_logical3A = arith.constant 31 : i32
    %shift_right_logical3A_14 = vector.broadcast %shift_right_logical3A : i32 to vector<16x2560xi32>
    %shift_right_logical3A_15 = arith.shrui %bitcast_convert_type3A, %shift_right_logical3A_14 : vector<16x2560xi32>
    %convert_element_type3A = arith.constant 0 : i32
    %convert_element_type3A_16 = vector.broadcast %convert_element_type3A : i32 to vector<16x2560xi32>
    %convert_element_type3A_17 = arith.cmpi ne, %shift_right_logical3A_15, %convert_element_type3A_16 : vector<16x2560xi32>
    %not3A = arith.constant dense<-1> : vector<16x2560xi32>
    %not3A_18 = arith.xori %bitcast_convert_type3A, %not3A : vector<16x2560xi32>
    %or3A = arith.constant -2147483648 : i32
    %or3A_19 = vector.broadcast %or3A : i32 to vector<16x2560xi32>
    %or3A_20 = arith.ori %bitcast_convert_type3A, %or3A_19 : vector<16x2560xi32>
    %select_n3A = arith.select %convert_element_type3A_17, %not3A_18, %or3A_20 : vector<16x2560xi1>, vector<16x2560xi32>
    %iota3A = tpu.iota {dimensions = array<i32: 1>} : vector<16x2560xi32>
    %mul3A = arith.constant 32 : i32
    %mul3A_21 = vector.broadcast %mul3A : i32 to vector<16x1xi32>
    %mul3A_22 = arith.muli %get3A_13, %mul3A_21 : vector<16x1xi32>
    %lt3A = vector.broadcast %mul3A_22 : vector<16x1xi32> to vector<16x2560xi32>
    %lt3A_23 = arith.cmpi slt, %iota3A, %lt3A : vector<16x2560xi32>
    %jit3A = arith.constant 0 : i32
    %broadcast_in_dim3A = vector.broadcast %jit3A : i32 to vector<16x2560xi32>
    %select_n3A_24 = arith.select %lt3A_23, %select_n3A, %broadcast_in_dim3A : vector<16x2560xi1>, vector<16x2560xi32>
    %broadcast_in_dim3A_25 = arith.constant 0 : i32
    %broadcast_in_dim3A_26 = vector.broadcast %broadcast_in_dim3A_25 : i32 to vector<16x1xi32>
    %scan3A = arith.constant 0 : i32
    %scan3A_27 = arith.constant 32 : i32
    %scan3A_28 = arith.addi %scan3A, %scan3A_27 : i32
    %scan3A_29 = arith.constant 1 : i32
    %scan3A_30 = scf.for %scan3A_87 = %scan3A to %scan3A_28 step %scan3A_29 iter_args(%scan3A_88 = %broadcast_in_dim3A_26) -> (vector<16x1xi32>)  : i32 {
      %sub3A_89 = arith.constant 31 : i32
      %sub3A_90 = arith.subi %sub3A_89, %scan3A_87 : i32
      %shift_left3A = arith.constant 1 : i32
      %shift_left3A_91 = arith.shli %shift_left3A, %sub3A_90 : i32
      %or3A_92 = vector.broadcast %shift_left3A_91 : i32 to vector<16x1xi32>
      %or3A_93 = arith.ori %scan3A_88, %or3A_92 : vector<16x1xi32>
      %ge3A_94 = vector.broadcast %or3A_93 : vector<16x1xi32> to vector<16x2560xi32>
      %ge3A_95 = arith.cmpi uge, %select_n3A_24, %ge3A_94 : vector<16x2560xi32>
      %convert_element_type3A_96 = arith.extui %ge3A_95 : vector<16x2560xi1> to vector<16x2560xi32>
      %convert_element_type3A_97 = arith.sitofp %convert_element_type3A_96 : vector<16x2560xi32> to vector<16x2560xf32>
      %reduce_sum3A_98 = arith.constant dense<0.000000e+00> : vector<16xf32>
      %reduce_sum3A_99 = vector.multi_reduction <add>, %convert_element_type3A_97, %reduce_sum3A_98 [1] : vector<16x2560xf32> to vector<16xf32>
      %broadcast_in_dim3A_100 = vector.shape_cast %reduce_sum3A_99 : vector<16xf32> to vector<16x1xf32>
      %ge3A_101 = arith.constant 6.400000e+01 : f32
      %ge3A_102 = vector.broadcast %ge3A_101 : f32 to vector<16x1xf32>
      %ge3A_103 = arith.cmpf oge, %broadcast_in_dim3A_100, %ge3A_102 : vector<16x1xf32>
      %select_n3A_104 = arith.select %ge3A_103, %or3A_93, %scan3A_88 : vector<16x1xi1>, vector<16x1xi32>
      scf.yield %select_n3A_104 : vector<16x1xi32>
    }
    %scan3A_31 = arith.constant 32 : i32
    %shift_right_logical3A_32 = arith.constant 31 : i32
    %shift_right_logical3A_33 = vector.broadcast %shift_right_logical3A_32 : i32 to vector<16x1xi32>
    %shift_right_logical3A_34 = arith.shrui %scan3A_30, %shift_right_logical3A_33 : vector<16x1xi32>
    %convert_element_type3A_35 = arith.constant 0 : i32
    %convert_element_type3A_36 = vector.broadcast %convert_element_type3A_35 : i32 to vector<16x1xi32>
    %convert_element_type3A_37 = arith.cmpi ne, %shift_right_logical3A_34, %convert_element_type3A_36 : vector<16x1xi32>
    %and3A = arith.constant 2147483647 : i32
    %and3A_38 = vector.broadcast %and3A : i32 to vector<16x1xi32>
    %and3A_39 = arith.andi %scan3A_30, %and3A_38 : vector<16x1xi32>
    %not3A_40 = arith.constant dense<-1> : vector<16x1xi32>
    %not3A_41 = arith.xori %scan3A_30, %not3A_40 : vector<16x1xi32>
    %select_n3A_42 = arith.select %convert_element_type3A_37, %and3A_39, %not3A_41 : vector<16x1xi1>, vector<16x1xi32>
    %bitcast_convert_type3A_43 = tpu.bitcast %select_n3A_42 : vector<16x1xi32> -> vector<16x1xf32>
    %ge3A = vector.broadcast %scan3A_30 : vector<16x1xi32> to vector<16x2560xi32>
    %ge3A_44 = arith.cmpi uge, %select_n3A_24, %ge3A : vector<16x2560xi32>
    %convert_element_type3A_45 = arith.extui %ge3A_44 : vector<16x2560xi1> to vector<16x2560xi32>
    %convert_element_type3A_46 = arith.sitofp %convert_element_type3A_45 : vector<16x2560xi32> to vector<16x2560xf32>
    %reduce_sum3A = arith.constant dense<0.000000e+00> : vector<16xf32>
    %reduce_sum3A_47 = vector.multi_reduction <add>, %convert_element_type3A_46, %reduce_sum3A [1] : vector<16x2560xf32> to vector<16xf32>
    %broadcast_in_dim3A_48 = vector.shape_cast %reduce_sum3A_47 : vector<16xf32> to vector<16x1xf32>
    %gt3A = vector.broadcast %scan3A_30 : vector<16x1xi32> to vector<16x2560xi32>
    %gt3A_49 = arith.cmpi ugt, %select_n3A_24, %gt3A : vector<16x2560xi32>
    %convert_element_type3A_50 = arith.extui %gt3A_49 : vector<16x2560xi1> to vector<16x2560xi32>
    %convert_element_type3A_51 = arith.sitofp %convert_element_type3A_50 : vector<16x2560xi32> to vector<16x2560xf32>
    %reduce_sum3A_52 = arith.constant dense<0.000000e+00> : vector<16xf32>
    %reduce_sum3A_53 = vector.multi_reduction <add>, %convert_element_type3A_51, %reduce_sum3A_52 [1] : vector<16x2560xf32> to vector<16xf32>
    %broadcast_in_dim3A_54 = vector.shape_cast %reduce_sum3A_53 : vector<16xf32> to vector<16x1xf32>
    %ge3A_55 = vector.broadcast %bitcast_convert_type3A_43 : vector<16x1xf32> to vector<16x32768xf32>
    %ge3A_56 = arith.cmpf oge, %get3A_3, %ge3A_55 : vector<16x32768xf32>
    %convert_element_type3A_57 = arith.extui %ge3A_56 : vector<16x32768xi1> to vector<16x32768xi32>
    %convert_element_type3A_58 = arith.sitofp %convert_element_type3A_57 : vector<16x32768xi32> to vector<16x32768xf32>
    %gt3A_59 = vector.broadcast %bitcast_convert_type3A_43 : vector<16x1xf32> to vector<16x32768xf32>
    %gt3A_60 = arith.cmpf ogt, %get3A_3, %gt3A_59 : vector<16x32768xf32>
    %convert_element_type3A_61 = arith.extui %gt3A_60 : vector<16x32768xi1> to vector<16x32768xi32>
    %convert_element_type3A_62 = arith.sitofp %convert_element_type3A_61 : vector<16x32768xi32> to vector<16x32768xf32>
    %sub3A = arith.constant 6.400000e+01 : f32
    %sub3A_63 = vector.broadcast %sub3A : f32 to vector<16x1xf32>
    %sub3A_64 = arith.subf %sub3A_63, %broadcast_in_dim3A_54 : vector<16x1xf32>
    %sub3A_65 = arith.subf %broadcast_in_dim3A_48, %broadcast_in_dim3A_54 : vector<16x1xf32>
    %mul3A_66 = arith.mulf %get3A_3, %convert_element_type3A_62 : vector<16x32768xf32>
    %reduce_sum3A_67 = arith.constant dense<0.000000e+00> : vector<16xf32>
    %reduce_sum3A_68 = vector.multi_reduction <add>, %mul3A_66, %reduce_sum3A_67 [1] : vector<16x32768xf32> to vector<16xf32>
    %broadcast_in_dim3A_69 = vector.shape_cast %reduce_sum3A_68 : vector<16xf32> to vector<16x1xf32>
    %mul3A_70 = arith.mulf %sub3A_64, %bitcast_convert_type3A_43 : vector<16x1xf32>
    %add3A = arith.addf %broadcast_in_dim3A_69, %mul3A_70 : vector<16x1xf32>
    %mul3A_71 = arith.mulf %bitcast_convert_type3A_43, %sub3A_64 : vector<16x1xf32>
    %div3A = arith.divf %mul3A_71, %sub3A_65 : vector<16x1xf32>
    %mul3A_72 = arith.mulf %convert_element_type3A_62, %get3A_3 : vector<16x32768xf32>
    %sub3A_73 = arith.subf %convert_element_type3A_58, %convert_element_type3A_62 : vector<16x32768xf32>
    %mul3A_74 = vector.broadcast %div3A : vector<16x1xf32> to vector<16x32768xf32>
    %mul3A_75 = arith.mulf %sub3A_73, %mul3A_74 : vector<16x32768xf32>
    %add3A_76 = arith.addf %mul3A_72, %mul3A_75 : vector<16x32768xf32>
    %add3A_77 = arith.constant 9.99999996E-13 : f32
    %add3A_78 = vector.broadcast %add3A_77 : f32 to vector<16x1xf32>
    %add3A_79 = arith.addf %add3A, %add3A_78 : vector<16x1xf32>
    %div3A_80 = vector.broadcast %add3A_79 : vector<16x1xf32> to vector<16x32768xf32>
    %div3A_81 = arith.divf %add3A_76, %div3A_80 : vector<16x32768xf32>
    %swap3A = arith.constant 0 : index
    %swap3A_82 = arith.constant 0 : index
    %swap3A_83 = arith.constant 0 : index
    %swap3A_84 = vector.load %arg4[%swap3A, %swap3A_82, %swap3A_83] : memref<1x16x32768xf32, #tpu.memory_space<vmem>>, vector<1x16x32768xf32>
    %swap3A_85 = vector.shape_cast %swap3A_84 : vector<1x16x32768xf32> to vector<16x32768xf32>
    %swap3A_86 = vector.shape_cast %div3A_81 : vector<16x32768xf32> to vector<1x16x32768xf32>
    tpu.vector_store %arg4[%swap3A, %swap3A_82, %swap3A_83], %swap3A_86 {strides = array<i32>} : memref<1x16x32768xf32, #tpu.memory_space<vmem>>, vector<1x16x32768xf32>,
    return
  }
  func.func @transform_0(%arg0: i32) -> (i32, i32, i32) {
    %c0_i32 = arith.constant 0 : i32
    %c0_i32_0 = arith.constant 0 : i32
    %c0_i32_1 = arith.constant 0 : i32
    return %arg0, %c0_i32, %c0_i32_0 : i32, i32, i32
  }
  func.func @transform_1(%arg0: i32) -> (i32, i32, i32) {
    %c0_i32 = arith.constant 0 : i32
    %c0_i32_0 = arith.constant 0 : i32
    %c0_i32_1 = arith.constant 0 : i32
    return %arg0, %c0_i32, %c0_i32_0 : i32, i32, i32
  }
  func.func @transform_2(%arg0: i32) -> (i32, i32, i32) {
    %c0_i32 = arith.constant 0 : i32
    %c0_i32_0 = arith.constant 0 : i32
    %c0_i32_1 = arith.constant 0 : i32
    return %arg0, %c0_i32, %c0_i32_0 : i32, i32, i32
  }
  func.func @transform_3(%arg0: i32) -> (i32, i32, i32) {
    %c0_i32 = arith.constant 0 : i32
    %c0_i32_0 = arith.constant 0 : i32
    %c0_i32_1 = arith.constant 0 : i32
    return %arg0, %c0_i32, %c0_i32_0 : i32, i32, i32
  }
}

</mosaic_0001>

<sc_bundles>
// kernel: kernel.5.cloned.1.call-start
scs
__scs_entry_jumppad:
0x0: {  	(pc) =	sbr.rel $0x88, $3  }
0x1: {  	(tag) =	ssettag $0x0;
	lr =	simm.s32 $0x1  }
0x2: {  	[smem:$0x3FA0] =	sst lr;
	_ =	strace $0xD0000000  }
0x3: {  	_ = 	snop  }
0x4: {  	_ = 	snop  }
0x5: {  	_ = 	snop  }
0x6: {  	_ = 	snop  }
0x7: {  	_ = 	snop  }
__scs_overlays_trampoline_lowered:
0x8: {  	[smem:$0x3FAF] =	sst s0  }
0x9: {  	[smem:$0x3FB0] =	sst s1  }
0xa: {  	[smem:$0x3FB1] =	sst s2  }
0xb: {  	[smem:$0x3FB2] =	sst s3  }
0xc: {  	[smem:$0x3FB3] =	sst s4  }
0xd: {  	[smem:$0x3FB4] =	sst s5  }
0xe: {  	[smem:$0x3FB5] =	sst s6  }
0xf: {  	[smem:$0x3FB6] =	sst s7  }
0x10: {  	[smem:$0x3FB7] =	sst s8  }
0x11: {  	[smem:$0x3FB8] =	sst s9;
	s0 =	simm.s32 @!p0 $0x0  }
0x12: {  	s1 =	sld [smem:$0x3F9E];
	s0 =	simm.s32 @p0 $0x1  }
0x13: {  	[smem:$0x3FB9] =	sst s0;
	s0 =	simm.s32 @!p1 $0x0  }
0x14: {  	s2 =	sld [smem:$0x3F9D];
	s0 =	simm.s32 @p1 $0x1  }
0x15: {  	[smem:$0x3FBA] =	sst s0;
	s0 =	simm.s32 @!p2 $0x0  }
0x16: {  	s3 =	sld [smem:$0x3FDB];
	s0 =	simm.s32 @p2 $0x1  }
0x17: {  	s4 =	simm.s32 $0x1BF5;
	[smem:$0x3FBC] =	sst s0  }
0x18: {  	s0 =	sld [smem:$0x3F9F];
	_ =	swait.ge [sflag:s4], $0x0  }
0x19: {  	s7 =	sld [smem:$0x3FA0]  }
0x1a: {  	s8 =	sadd.s32 $0xFFFFE003, lr  }
0x1b: {  	s9 =	sadd.s32 $0xFFFFFEF7, lr;
	s5 =	simm.s32 $0xFFFFFFFF;
	p2 =	slt.u32 s8, $0xFFFFF086  }
0x1c: {  	p1 =	slt.u32 s9, $0xF7A;
	s5 =	simm.s32 @!p2 $0x0  }
0x1d: {  	s5 =	simm.s32 @p1 $0x1;
	p0 =	seq.s32 s7, s2  }
0x1e: {  	s7 =	smul.u32 @!p0 $0xF7A, s2;
	p2 =	seq.s32 @!p0 s5, $0x0  }
0x1f: {  	s9 =	smul.u32 $0xF7A, s1;
	s8 =	simm.s32 @!p0 $0x1BF5;
	p2 =	por !p2, p0  }
0x20: {  	[sflag:s8] =	ssyncset.s32 @!p0 $0xFFFFF086;
	s6 =	sadd.s32 @!p0 s3, s7;
	s7 =	simm.s32 @!p0 $0x108  }
0x21: {  	s3 =	sadd.s32 s3, s9;
	s6 =	sadd.s32 @!p0 $0x88, s6;
	s7 =	simm.s32 @p2 $0x1082  }
0x22: {  	[simem:s7], [sflag:s8] =	dma.local @!p0 [hbm:s6], $0xF7A  }
0x23: {  	s9 =	sor.u32 $0xD0000000, s2;
	s6 =	simm.s32 $0x108;
	_ =	swait.ge @!p0 [sflag:s8], $0x0  }
0x24: {  	s3 =	sadd.s32 $0x88, s3;
	s6 =	simm.s32 @!p1 $0x1082;
	[sflag:s4] =	ssyncset.s32 $0xFFFFF086  }
0x25: {  	[simem:s6], [sflag:s4] =	dma.local [hbm:s3], $0xF7A  }
0x26: {  	[smem:$0x3FA0] =	sst s1;
	(tag) =	ssettag s2;
	_ =	strace s9  }
0x27: {  	s1 =	sld [smem:$0x3FB0]  }
0x28: {  	s2 =	sld [smem:$0x3FB1]  }
0x29: {  	s4 =	sld [smem:$0x3FB3]  }
0x2a: {  	p0 =	seq.s32 s5, $0x0;
	s5 =	sld [smem:$0x3FB4]  }
0x2b: {  	s6 =	sld [smem:$0x3FB5]  }
0x2c: {  	s7 =	sld [smem:$0x3FB6]  }
0x2d: {  	s3 =	simm.s32 $0x108;
	s8 =	sld [smem:$0x3FB7]  }
0x2e: {  	s3 =	simm.s32 @!p0 $0x1082;
	s9 =	sld [smem:$0x3FB8]  }
0x2f: {  	lr =	sadd.s32 s0, s3;
	s0 =	sld [smem:$0x3FAF]  }
0x30: {  	s3 =	sld [smem:$0x3FB2]  }
0x31: {  	[smem:$0x3FBB] =	sst s10  }
0x32: {  	s10 =	sld [smem:$0x3FB9];
	_ =	sdelay $0x3  }
0x33: {  	p0 =	seq.s32 s10, $0x1;
	s10 =	sld [smem:$0x3FBB];
	_ =	sdelay $0x3  }
0x34: {  	[smem:$0x3FBB] =	sst s10  }
0x35: {  	s10 =	sld [smem:$0x3FBA];
	_ =	sdelay $0x3  }
0x36: {  	p1 =	seq.s32 s10, $0x1;
	s10 =	sld [smem:$0x3FBB];
	_ =	sdelay $0x3  }
0x37: {  	[smem:$0x3FBB] =	sst s10  }
0x38: {  	s10 =	sld [smem:$0x3FBC]  }
0x39: {  	_ = 	snop;
	(pc) =	sbr.ind lr, $3  }
0x3a: {  	_ = 	snop  }
0x3b: {  	_ = 	snop  }
0x3c: {  	p2 =	seq.s32 s10, $0x1;
	s10 =	sld [smem:$0x3FBB]  }
0x3d: {  	_ =	shalt  }
0x3e: {  	_ =	shalt  }
0x3f: {  	_ =	shalt  }
0x40: {  	_ =	shalt  }
0x41: {  	_ =	shalt  }
0x42: {  	_ =	shalt  }
0x43: {  	_ =	shalt  }
0x44: {  	_ =	shalt  }
0x45: {  	_ =	shalt  }
0x46: {  	_ =	shalt  }
0x47: {  	_ =	shalt  }
0x48: {  	_ =	shalt  }
0x49: {  	_ =	shalt  }
0x4a: {  	_ =	shalt  }
0x4b: {  	_ =	shalt  }
0x4c: {  	_ =	shalt  }
0x4d: {  	_ =	shalt  }
0x4e: {  	_ =	shalt  }
0x4f: {  	_ =	shalt  }
0x50: {  	_ =	shalt  }
0x51: {  	_ =	shalt  }
0x52: {  	_ =	shalt  }
0x53: {  	_ =	shalt  }
0x54: {  	_ =	shalt  }
0x55: {  	_ =	shalt  }
0x56: {  	_ =	shalt  }
0x57: {  	_ =	shalt  }
0x58: {  	_ =	shalt  }
0x59: {  	_ =	shalt  }
0x5a: {  	_ =	shalt  }
0x5b: {  	_ =	shalt  }
0x5c: {  	_ =	shalt  }
0x5d: {  	_ =	shalt  }
0x5e: {  	_ =	shalt  }
0x5f: {  	_ =	shalt  }
0x60: {  	_ =	shalt  }
0x61: {  	_ =	shalt  }
0x62: {  	_ =	shalt  }
0x63: {  	_ =	shalt  }
0x64: {  	_ =	shalt  }
0x65: {  	_ =	shalt  }
0x66: {  	_ =	shalt  }
0x67: {  	_ =	shalt  }
0x68: {  	_ =	shalt  }
0x69: {  	_ =	shalt  }
0x6a: {  	_ =	shalt  }
0x6b: {  	_ =	shalt  }
0x6c: {  	_ =	shalt  }
0x6d: {  	_ =	shalt  }
0x6e: {  	_ =	shalt  }
0x6f: {  	_ =	shalt  }
0x70: {  	_ =	shalt  }
0x71: {  	_ =	shalt  }
0x72: {  	_ =	shalt  }
0x73: {  	_ =	shalt  }
0x74: {  	_ =	shalt  }
0x75: {  	_ =	shalt  }
0x76: {  	_ =	shalt  }
0x77: {  	_ =	shalt  }
0x78: {  	_ =	shalt  }
0x79: {  	_ =	shalt  }
0x7a: {  	_ =	shalt  }
0x7b: {  	_ =	shalt  }
0x7c: {  	_ =	shalt  }
0x7d: {  	_ =	shalt  }
0x7e: {  	_ =	shalt  }
0x7f: {  	_ =	shalt  }
0x80: {  	_ =	shalt  }
0x81: {  	_ =	shalt  }
0x82: {  	_ =	shalt  }
0x83: {  	_ =	shalt  }
0x84: {  	_ =	shalt  }
0x85: {  	_ =	shalt  }
0x86: {  	_ =	shalt  }
0x87: {  	_ =	shalt  }
.Lfunc_end0:
.L_simem_size_0:
called_computation.1_lowered:
.L_overlay_start_0:
0x88: {  	s2 =	sld [smem:$0x3FD9]  }
0x89: {  	s3 =	sld [smem:$0x3FFE];
	_ =	sdelay $0x1  }
0x8a: {  	s1 =	srdreg.scid  }
0x8b: {  	s0 =	sand.u32 $0x1, s1  }
0x8c: {  	s17 =	sshll.u32 s0, $0xA;
	s2 =	sadd.s32 s3, s2  }
0x8d: {  	s2 =	sadd.s32 s2, s17  }
0x8e: {  	[smem:$0x3FC7] =	sst s2  }
0x8f: {  	_ = 	snop  }
0x90: {  	s2 =	sld [smem:$0x3FD0];
	(tm) =	ssettm $0x1  }
0x91: {  	s18 =	sld [smem:$0x3FFB];
	_ =	sdelay $0x3  }
0x92: {  	_ =	strace s18  }
0x93: {  	s3 =	sld [smem:$0x3FFC];
	_ =	sdelay $0x3  }
0x94: {  	_ =	strace s3  }
0x95: {  	s3 =	sld [smem:$0x3FFD];
	_ =	sdelay $0x3  }
0x96: {  	_ =	strace s3  }
0x97: {  	_ =	strace $0x8FFFFFFF  }
0x98: {  	s19 =	sld [smem:$0x3FDB];
	_ =	sdelay $0x1  }
0x99: {  	s4 =	simm.s32 $_scs_section_size  }
0x9a: {  	s5 =	simm.s32 $_size__tile_overlayer_lowered;
	s6 =	simm.s32 $_tile_overlayer_lowered  }
0x9b: {  	s22 =	simm.s32 $0x1BFF;
	s21 =	sshll.u32 s6, $0x1;
	s3 =	sadd.s32 s4, s19  }
0x9c: {  	s7 =	simm.s32 $0x0;
	s20 =	sshll.u32 s5, $0x1;
	s5 =	sadd.s32 s21, s3  }
0x9d: {  	[timem:s7], [sflag:s22] =	dma.local [hbm:s5], s20  }
0x9e: {  	_ =	swait.ge [sflag:s22], s20  }
0x9f: {  	s4 =	ssub.s32 $0x0, s20;
	[sflag:s22] =	ssyncset.done $0x0  }
0xa0: {  	[sflag:s22] =	ssyncadd.s32 s4;
	_ =	sdelay $0x1  }
0xa1: {  	s23 =	simm.s32 $0x1B8B  }
0xa2: {  	_ =	swait.ge [sflag:s23], $0x1  }
0xa3: {  	[sflag:s23] =	ssyncset.done $0x0  }
0xa4: {  	s25 =	simm.s32 $0x1B8E;
	s24 =	sld [smem:$0x3FFE];
	[sflag:s23] =	ssyncadd.s32 $0xFFFFFFFF  }
0xa5: {  	s26 =	simm.s32 $execute0_lowered;
	[smem:$0x3FD2] =	sst s25  }
0xa6: {  	s5 =	sshll.u32 s26, $0x1;
	_ =	strace $0x80000049;
	[dreg:$0x1] =	wrdreg $0xFFFFFFFF  }
0xa7: {  	s28 =	simm.s32 $_size_execute0_lowered;
	s3 =	sadd.s32 s3, s5;
	[dreg:$0x0] =	wrdreg $0x0  }
0xa8: {  	s5 =	sshll.u32 s28, $0x1;
	[dreg:$0x2] =	wrdreg s3  }
0xa9: {  	[dreg:$0x3] =	wrdreg s5  }
0xaa: {  	[dreg:$0x4] =	wrdreg $0xC0  }
0xab: {  	_ =	task [dreg:s7], $0x5FFFF  }
0xac: {  	[dreg:$0x1] =	wrdreg $0xFFFFFFFF  }
0xad: {  	[dreg:$0x0] =	wrdreg $0x60  }
0xae: {  	[dreg:$0x2] =	wrdreg s2  }
0xaf: {  	[dreg:$0x3] =	wrdreg s24  }
0xb0: {  	[dreg:$0x4] =	wrdreg $0x9  }
0xb1: {  	_ =	task.clear_ibuf [dreg:s7], $0x5FFFF;
	_ =	strace $0x90000049  }
0xb2: {  	s29 =	simm.s32 $0x9;
	_ =	strace $0x8000004B  }
0xb3: {  	_ =	swait.ge [sflag:s29], $0x1  }
0xb4: {  	[sflag:s29] =	ssyncadd.s32 $0xFFFFFFFF  }
0xb5: {  	_ =	strace $0x9000004B  }
0xb6: {  	_ =	sfence  }
0xb7: {  	s30 =	sld [smem:$0x0];
	_ =	sdelay $0x2  }
0xb8: {  	s31 =	sshll.u32 s1, $0xD;
	s1 =	sshrl.u32 s1, $0x2  }
0xb9: {  	s3 =	sand.u32 $0x4000, s31;
	s1 =	sadd.s32 s1, s30  }
0xba: {  	s0 =	sor.u32 s3, s0;
	s1 =	sshll.u32 s1, $0x11  }
0xbb: {  	s0 =	sor.u32 s1, s0  }
0xbc: {  	s0 =	sadd.s32 $0x8F2B, s0  }
0xbd: {  	[sflag:s0] =	ssyncadd.remote.s32 $0x1  }
0xbe: {  	_ =	sfence.sel $0xFFFF  }
0xbf: {  	[dreg:$0x0] =	wrdreg $0xFFFFFFFF;
	(pc) =	sbr.abs _section_cstart, $3  }
0xc0: {  	[dreg:$0x1] =	wrdreg $0xFFFFFFFF  }
0xc1: {  	_ =	task.clear_ibuf [dreg:s7], $0x2FFFF;
	_ =	strace $0x9FFFFFFF  }
0xc2: {  	(tm) =	ssettm $0x7FFFFFFF  }
0xc3: {  	_ =	shalt  }
tec
execute0_lowered:
.L_overlay_start_1:
0x0: {  	(tag) =	ssettag $0x1  }
0x1: {  	s2 =	rddreg [dreg:$0x0]  }
0x2: {  	s5 =	rddreg [dreg:$0x1]  }
0x3: {  	s0 =	rddreg [dreg:$0x2];
	s4 =	srdreg.scid  }
0x4: {  	s1 =	stileid.u32;
	s3 =	simm.s32 $0x0;
	s12 =	simm.s32 $0x8200  }
0x5: {  	s13 =	simm.s32 $0x50;
	s14 =	simm.s32 $0x8250;
	s15 =	simm.s32 $0x1  }
0x6: {  	s16 =	simm.s32 $0x8C50;
	s4 =	sand.u32 $0x1, s4;
	s6 =	sshll.u32 s1, $0x1  }
0x7: {  	s17 =	simm.s32 $0x0;
	[smem:$0x7FF] =	sst s3;
	s6 =	sor.u32 s4, s6  }
0x8: {  	_ =	strace $0x8000004A;
	s9 =	ssub.s32 $0x2, s4;
	s4 =	sadd.s32 $0x21800, s5  }
0x9: {  	s7 =	sshll.u32 s6, $0xC;
	s8 =	sshll.u32 s6, $0x6;
	s10 =	sshll.u32 s6, $0x2  }
0xa: {  	s11 =	sshrl.u32 s9, $0x1;
	s7 =	sadd.s32 s7, s5;
	s8 =	sadd.s32 s8, s5  }
0xb: {  	s10 =	sadd.s32 s10, s5;
	s9 =	ssub.s32 s9, s11;
	s5 =	sshll.u32 s6, $0x5  }
0xc: {  	v0 =	vlaneseq.u32;
	s11 =	simm.s32 $0x8000;
	s6 =	sadd.s32 $0x1000, s7;
	s7 =	sadd.s32 $0x21000, s8  }
0xd: {  	v2 =	vimm.s32 $0x0;
	vm0 =	vmxor vm0, vm0;
	v1 =	vmul.u32 $0x4, v0;
	s8 =	sadd.s32 $0x71800, s10;
	s9 =	smax.u32 s9, $0x1;
	s10 =	simm.s32 $0x2  }
.LBB2_1:
0xe: {  	[tilespmem:s3], [sflag:$0x2] =	stream.linear.gather [hbm4b:s6+s3], $0x8000, $0x38;
	[tilespmem:$0x8C70] =	vst v63  }
0xf: {  	_ =	swait.ge [sflag:s10], $0x8000  }
0x10: {  	[sflag:s10] =	ssyncset.done $0x0  }
0x11: {  	[sflag:s10] =	ssyncadd.s32 $0xFFFF8000  }
0x12: {  	[tilespmem:s11], [sflag:$0x2] =	stream.linear.gather [hbm4b:s7+s3], $0x200, $0x38;
	[tilespmem:$0x8C70] =	vst v63  }
0x13: {  	_ =	swait.ge [sflag:s10], $0x200  }
0x14: {  	[sflag:s10] =	ssyncset.done $0x0  }
0x15: {  	s18 =	simm.s32 $0x0;
	v3 =	vimm.s32 $0x0;
	v4 =	vimm.s32 $0x0;
	s19 =	simm.s32 $0x0;
	[sflag:s10] =	ssyncadd.s32 $0xFFFFFE00  }
.LBB2_2:
0x16: {  	s20 =	sadd.s32 s5, s19  }
0x17: {  	s21 =	sshll.u32 s19, $0x4;
	s22 =	sshll.u32 s20, $0xA  }
0x18: {  	s21 =	sand.u32 $0x3FFFFFF0, s21;
	v5 =	vmov s22  }
0x19: {  	v6 =	vld [tilespmem:s21+$0x8000];
	[tilespmem:$0x8200] =	vst v5  }
0x1a: {  	[tilespmem:$0x8210] =	vst v5  }
0x1b: {  	[tilespmem:$0x8220] =	vst v5  }
0x1c: {  	[tilespmem:$0x8230] =	vst v5  }
0x1d: {  	[tilespmem:$0x8240] =	vst v5  }
0x1e: {  	v7 =	vld [tilespmem:s18+$0x0];
	_ =	sdelay $0x4  }
0x1f: {  	vm1 =	vge.f32 v7, v6  }
0x20: {  	v7 =	vsel vm1, $0x1, v2  }
0x21: {  	(xrf0) =	vadd.scan.msk.s32 $0xffff, v7;
	_ =	sdelay $0x5  }
0x22: {  	v7, _, _ =	vpop (xrf0)  }
0x23: {  	v9 =	vxor.u32 $0x80000000, v7  }
0x24: {  	(xrf0) =	vmax.scan.msk.u32 $0xffff, v9;
	_ =	sdelay $0x1  }
0x25: {  	s21 =	simm.s32 $0x0;
	v8 =	vsel vm1, $0xFFFFFFFF, v2  }
0x26: {  	v62 =	vmov s21;
	v8 =	vadd.s32 s21, v8  }
0x27: {  	v10 =	vshll.u32 v62, $0x2;
	v7 =	vadd.s32 v7, v8  }
0x28: {  	v8 =	vor.u32 v1, v10  }
0x29: {  	v8 =	vand.u32 $0x3FC, v8;
	v9 =	vshrl.u32 v62, $0x8;
	v63, _, _ =	vpop (xrf0)  }
0x2a: {  	v8 =	vor.u32 v8, v9;
	(v2sf) =	vpush v63, $0xF  }
0x2b: {  	v8 =	vor.u32 v5, v8  }
0x2c: {  	s23 =	sadd.s32 $0x10, s18;
	[tilespmem:v7+s12+$0x0] =	vst.idx.msk vm1, v8  }
0x2d: {  	s24 =	simm.s32 $0x20;
	s22 =	simm.s32 $0x10;
	v7 =	vld [tilespmem:s23+$0x0]  }
.LBB2_3:
0x2e: {  	p0 =	sne.s32 s24, $0x3F0;
	_ =	sdelay $0x3  }
0x2f: {  	vm1 =	vge.f32 v7, v6  }
0x30: {  	v7 =	vsel vm1, $0xFFFFFFFF, v2;
	v8 =	vsel vm1, $0x1, v2  }
0x31: {  	(xrf0) =	vadd.scan.msk.s32 $0xffff, v8;
	_ =	sdelay $0x4  }
0x32: {  	s25 =	spop (v2sf)  }
0x33: {  	v8, _, _ =	vpop (xrf0);
	s21 =	sadd.s32 s25, s21  }
0x34: {  	v9 =	vxor.u32 $0x80000000, v8;
	s21 =	sadd.s32 $0x80000000, s21  }
0x35: {  	(xrf0) =	vmax.scan.msk.u32 $0xffff, v9;
	p1 =	slt.s32 s21, $0x40  }
0x36: {  	s21 =	simm.s32 @!p1 $0x40  }
0x37: {  	v9 =	vmov s22;
	s22 =	smov.u32 s24;
	v7 =	vadd.s32 s21, v7  }
0x38: {  	v10 =	vshll.u32 v9, $0x2;
	v7 =	vadd.s32 v8, v7  }
0x39: {  	v8 =	vor.u32 v1, v10  }
0x3a: {  	v10 =	vshrl.u32 v9, $0x8;
	v8 =	vand.u32 $0x3FC, v8  }
.Ltmp0:
0x3b: {  	v8 =	vor.u32 v8, v10;
	v9, _, _ =	vpop (xrf0);
	(pc) =	sbr.rel @p0 .LBB2_3-.Ltmp0, $4  }
0x3c: {  	v8 =	vor.u32 v5, v8;
	(v2sf) =	vpush v9, $0xF  }
0x3d: {  	[tilespmem:v7+s12+$0x0] =	vst.idx.msk vm1, v8  }
0x3e: {  	s23 =	sadd.s32 $0x10, s23  }
0x3f: {  	s24 =	sadd.s32 $0x10, s24;
	v7 =	vld [tilespmem:s23+$0x0]  }
0x40: {  	_ =	sdelay $0x3  }
0x41: {  	vm1 =	vge.f32 v7, v6  }
0x42: {  	v6 =	vsel vm1, $0x1, v2  }
0x43: {  	(xrf0) =	vadd.scan.msk.s32 $0xffff, v6;
	_ =	sdelay $0x5  }
0x44: {  	v6, _, _ =	vpop (xrf0)  }
0x45: {  	v7 =	vxor.u32 $0x80000000, v6  }
0x46: {  	(xrf0) =	vmax.scan.msk.u32 $0xffff, v7;
	_ =	sdelay $0x5  }
0x47: {  	v7, _, _ =	vpop (xrf0)  }
0x48: {  	(v2sf) =	vpush v7, $0xF;
	_ =	sdelay $0x1  }
0x49: {  	s23 =	spop (v2sf)  }
0x4a: {  	s21 =	sadd.s32 s23, s21  }
0x4b: {  	s21 =	sadd.s32 $0x80000000, s21  }
0x4c: {  	p0 =	slt.s32 s21, $0x40  }
0x4d: {  	s21 =	simm.s32 @!p0 $0x40;
	v7 =	vsel vm1, $0xFFFFFFFF, v2  }
0x4e: {  	v8 =	vmov s22;
	v7 =	vadd.s32 s21, v7  }
0x4f: {  	v9 =	vshll.u32 v8, $0x2;
	v6 =	vadd.s32 v6, v7  }
0x50: {  	v7 =	vor.u32 v1, v9  }
0x51: {  	v8 =	vshrl.u32 v8, $0x8;
	v7 =	vand.u32 $0x3FC, v7  }
0x52: {  	v7 =	vor.u32 v7, v8  }
0x53: {  	v5 =	vor.u32 v5, v7  }
0x54: {  	[tilespmem:v6+s12+$0x0] =	vst.idx.msk vm1, v5  }
0x55: {  	[tilespmem:s14], [sflag:$0x1] =	stream.indirect.gather [hbm4b:s2+s13], $0x20, s12, s13, $0xb8;
	[tilespmem:$0x8C70] =	vst v63  }
0x56: {  	s20 =	smul.u32 $0x140, s20;
	s29 =	spop (v2sf)  }
0x57: {  	_ =	swait.ge [sflag:s15], $0xA00  }
0x58: {  	s20 =	sadd.s32 s4, s20;
	[sflag:s15] =	ssyncset.done $0x0  }
0x59: {  	p0 =	slt.u32 s19, $0x10;
	s30 =	sadd.s32 s29, s21;
	[sflag:s15] =	ssyncadd.s32 $0xFFFFF600  }
0x5a: {  	vm1 =	vmmov vm0;
	[hbm4b:s20+s3] =	stream.linear.scatter [tilespmem:s14], [sflag:$0x2], $0xA00, $0x38;
	[tilespmem:$0x8C70] =	vst v63  }
0x5b: {  	vm2 =	vmmov vm0;
	vm1 =	vmneg @p0 vm1;
	p0 =	sgt.u32 s19, $0xF;
	s20 =	sadd.s32 $0x80000000, s30  }
0x5c: {  	s31 =	sadd.s32 $0xFFFFFFF0, s19;
	v5 =	vmov s19;
	s19 =	sadd.s32 $0x1, s19;
	vm2 =	vmneg @p0 vm2;
	p0 =	slt.s32 s20, $0x40  }
0x5d: {  	s20 =	simm.s32 @!p0 $0x40;
	p0 =	sne.s32 s19, $0x20  }
.Ltmp1:
0x5e: {  	_ = 	snop;
	(pc) =	sbr.rel @p0 .LBB2_2-.Ltmp1, $4  }
0x5f: {  	v6 =	vmov s31  }
0x60: {  	vm3 =	veq.s32 v5, v0;
	vm4 =	veq.s32 v6, v0;
	_ =	swait.ge [sflag:s10], $0xA00  }
0x61: {  	vm1 =	vmand vm1, vm3;
	vm2 =	vmand vm2, vm4;
	[sflag:s10] =	ssyncset.done $0x0  }
0x62: {  	s18 =	sadd.s32 $0x400, s18;
	[sflag:s10] =	ssyncadd.s32 $0xFFFFF600;
	v4 =	vsel vm1, s20, v4;
	v3 =	vsel vm2, s20, v3  }
0x63: {  	s17 =	sadd.s32 $0x1, s17  }
0x64: {  	[tilespmem:$0x8C50] =	vst v4;
	p0 =	sne.s32 s17, s9  }
.Ltmp2:
0x65: {  	[tilespmem:$0x8C60] =	vst v3;
	(pc) =	sbr.rel @p0 .LBB2_1-.Ltmp2, $4  }
0x66: {  	[hbm4b:s8+s3] =	stream.linear.scatter [tilespmem:s16], [sflag:$0x2], $0x20, $0x38;
	[tilespmem:$0x8C70] =	vst v63  }
0x67: {  	_ =	swait.ge [sflag:s10], $0x20  }
0x68: {  	[sflag:s10] =	ssyncset.done $0x0  }
0x69: {  	[sflag:s10] =	ssyncadd.s32 $0xFFFFFFE0  }
0x6a: {  	_ =	sfence.sel $0x180000  }
0x6b: {  	[bflag:$0x0] =	sbarrier.arrive $0xFFFF  }
0x6c: {  	p0 =	sne.s32 s1, $0x0;
	_ =	strace $0x9000004A  }
0x6d: {  	s0 =	sadd.s32 @!p0 $0x100000, s0;
	[bflag:$0x2] =	sbarrier.arrive $0xFFFF  }
0x6e: {  	[sflag:s0] =	ssyncadd.tile.s32 @!p0 $0x1;
	_ =	shalt  }
.Lfunc_end2:
_tile_overlayer_lowered:
.L_overlay_start_2:
0x6f: {  	(tag) =	ssettag $0x2  }
0x70: {  	s0 =	rddreg [dreg:$0x0];
	s2 =	stileid.u32  }
0x71: {  	s1 =	rddreg [dreg:$0x1];
	p0 =	sne.s32 s2, $0x0  }
0x72: {  	s3 =	rddreg [dreg:$0x2];
	[bflag:$0x3] =	sbarrier.arrive $0xFFFF;
	s2 =	simm.s32 @!p0 $0x1C02  }
0x73: {  	[timem:s3], [sflag:s2] =	dma.local @!p0 [hbm:s0], s1  }
0x74: {  	s0 =	simm.s32 @!p0 $0x2  }
0x75: {  	_ =	swait.ge @!p0 [sflag:s0], s1  }
0x76: {  	s1 =	ssub.s32 @!p0 $0x0, s1;
	[sflag:s0] =	ssyncset.done @!p0 $0x0  }
0x77: {  	[sflag:s0] =	ssyncadd.s32 @!p0 s1  }
0x78: {  	[bflag:$0x3] =	sbarrier.arrive $0xFFFF  }
0x79: {  	_ =	shalt  }

// kernel: sparse-core-data-format-call.cloned.1.call-start
scs
called_computation_lowered:
.L_overlay_start_0:
0x0: {  	s2 =	sld [smem:$0x3FD9]  }
0x1: {  	s3 =	sld [smem:$0x3FFE];
	_ =	sdelay $0x1  }
0x2: {  	s1 =	srdreg.scid  }
0x3: {  	s0 =	sand.u32 $0x1, s1  }
0x4: {  	s19 =	sshll.u32 s0, $0xA;
	s2 =	sadd.s32 s3, s2  }
0x5: {  	s2 =	sadd.s32 s2, s19  }
0x6: {  	[smem:$0x3FC7] =	sst s2  }
0x7: {  	_ = 	snop  }
0x8: {  	s2 =	sld [smem:$0x3FC9]  }
0x9: {  	s20 =	sld [smem:$0x3FD0];
	(tm) =	ssettm $0x1  }
0xa: {  	s4 =	sld [smem:$0x3FFB];
	_ =	sdelay $0x3  }
0xb: {  	_ =	strace s4  }
0xc: {  	s4 =	sld [smem:$0x3FFC];
	_ =	sdelay $0x3  }
0xd: {  	_ =	strace s4  }
0xe: {  	s4 =	sld [smem:$0x3FFD];
	_ =	sdelay $0x3  }
0xf: {  	_ =	strace s4  }
0x10: {  	_ =	strace $0x8FFFFFFF  }
0x11: {  	s21 =	sld [smem:$0x3FDB];
	_ =	sdelay $0x1  }
0x12: {  	s5 =	simm.s32 $_scs_section_size  }
0x13: {  	s6 =	simm.s32 $_size__tile_overlayer_lowered;
	s7 =	simm.s32 $_tile_overlayer_lowered  }
0x14: {  	s24 =	simm.s32 $0x1BFF;
	s23 =	sshll.u32 s7, $0x1;
	s4 =	sadd.s32 s5, s21  }
0x15: {  	s8 =	simm.s32 $0x0;
	s22 =	sshll.u32 s6, $0x1;
	s6 =	sadd.s32 s23, s4  }
0x16: {  	[timem:s8], [sflag:s24] =	dma.local [hbm:s6], s22  }
0x17: {  	_ =	swait.ge [sflag:s24], s22  }
0x18: {  	s5 =	ssub.s32 $0x0, s22;
	[sflag:s24] =	ssyncset.done $0x0  }
0x19: {  	[sflag:s24] =	ssyncadd.s32 s5;
	_ =	sdelay $0x1  }
0x1a: {  	s25 =	simm.s32 $0x1B8B  }
0x1b: {  	_ =	swait.ge [sflag:s25], $0x1  }
0x1c: {  	[sflag:s25] =	ssyncset.done $0x0  }
0x1d: {  	s26 =	simm.s32 $0x1B8E;
	[sflag:s25] =	ssyncadd.s32 $0xFFFFFFFF  }
0x1e: {  	s27 =	simm.s32 $execute0_lowered;
	[smem:$0x3FD2] =	sst s26  }
0x1f: {  	s5 =	sshll.u32 s27, $0x1;
	_ =	strace $0x80000046;
	[dreg:$0x1] =	wrdreg $0xFFFFFFFF  }
0x20: {  	s28 =	simm.s32 $_size_execute0_lowered;
	s4 =	sadd.s32 s4, s5;
	[dreg:$0x0] =	wrdreg $0x0  }
0x21: {  	s5 =	sshll.u32 s28, $0x1;
	[dreg:$0x2] =	wrdreg s4  }
0x22: {  	[dreg:$0x3] =	wrdreg s5  }
0x23: {  	[dreg:$0x4] =	wrdreg $0xC0  }
0x24: {  	_ =	task [dreg:s8], $0x5FFFF  }
0x25: {  	[dreg:$0x1] =	wrdreg $0xFFFFFFFF  }
0x26: {  	[dreg:$0x0] =	wrdreg $0x60  }
0x27: {  	[dreg:$0x2] =	wrdreg s2  }
0x28: {  	[dreg:$0x3] =	wrdreg s20  }
0x29: {  	[dreg:$0x4] =	wrdreg $0x9  }
0x2a: {  	_ =	task.clear_ibuf [dreg:s8], $0x5FFFF;
	_ =	strace $0x90000046  }
0x2b: {  	s29 =	simm.s32 $0x9;
	_ =	strace $0x80000048  }
0x2c: {  	_ =	swait.ge [sflag:s29], $0x1  }
0x2d: {  	[sflag:s29] =	ssyncadd.s32 $0xFFFFFFFF  }
0x2e: {  	_ =	strace $0x90000048  }
0x2f: {  	_ =	sfence  }
0x30: {  	s30 =	sld [smem:$0x0];
	_ =	sdelay $0x2  }
0x31: {  	s31 =	sshll.u32 s1, $0xD;
	s1 =	sshrl.u32 s1, $0x2  }
0x32: {  	s3 =	sand.u32 $0x4000, s31;
	s1 =	sadd.s32 s1, s30  }
0x33: {  	s0 =	sor.u32 s3, s0;
	s1 =	sshll.u32 s1, $0x11  }
0x34: {  	s0 =	sor.u32 s1, s0  }
0x35: {  	s0 =	sadd.s32 $0x8F2B, s0  }
0x36: {  	[sflag:s0] =	ssyncadd.remote.s32 $0x1  }
0x37: {  	_ =	sfence.sel $0xFFFF  }
0x38: {  	[dreg:$0x0] =	wrdreg $0xFFFFFFFF;
	(pc) =	sbr.abs _section_cstart, $3  }
0x39: {  	[dreg:$0x1] =	wrdreg $0xFFFFFFFF  }
0x3a: {  	_ =	task.clear_ibuf [dreg:s8], $0x2FFFF;
	_ =	strace $0x9FFFFFFF  }
0x3b: {  	(tm) =	ssettm $0x7FFFFFFF  }
tec
execute0_lowered:
.L_overlay_start_1:
0x0: {  	(tag) =	ssettag $0x1  }
0x1: {  	s2 =	rddreg [dreg:$0x0]  }
0x2: {  	s3 =	rddreg [dreg:$0x1]  }
0x3: {  	s0 =	rddreg [dreg:$0x2];
	_ =	strace $0x80000047  }
0x4: {  	s4 =	srdreg.scid;
	s1 =	stileid.u32;
	s6 =	simm.s32 $0x2  }
.Ltmp0:
0x5: {  	s11 =	simm.s32 $0x0;
	p0 =	por $0x0, $0x0;
	(pc) =	sbr.rel .LBB1_1-.Ltmp0, $4  }
0x6: {  	s7 =	simm.s32 $0x8000;
	s12 =	simm.s32 $0x0;
	s5 =	sshll.u32 s4, $0x4  }
0x7: {  	s9 =	simm.s32 $0x0;
	s4 =	simm.s32 $0x1;
	s5 =	sand.u32 $0x10, s5  }
0x8: {  	s8 =	simm.s32 $0x0;
	[sflag:s4] =	ssyncpa.u1 $0x0;
	s5 =	sor.u32 s1, s5  }
0x9: {  	[sflag:s6] =	ssyncpa.u1 $0x0;
	s6 =	simm.s32 $0x800;
	s10 =	smov.u32 s5  }
.LBB1_7:
0xa: {  	s13 =	sadd.s32 $0x10, s9  }
0xb: {  	s11 =	sadd.s32 $0x20, s10;
	s15 =	smov.u32 s10;
	p2 =	sgt.s32 s13, $0xFF  }
0xc: {  	p1 =	slt.u32 s8, $0x2;
	s15 =	smov.u32 @p2 s11  }
0xd: {  	s8 =	sadd.s32 $0x1, s8;
	s13 =	simm.s32 @p2 $0x0;
	p2 =	sgt.s32 s15, $0x7F  }
0xe: {  	s15 =	smov.u32 @p2 s5;
	p2 =	sne.s32 s8, $0x42  }
.Ltmp1:
0xf: {  	_ = 	snop;
	(pc) =	sbr.rel @!p2 .LBB1_8-.Ltmp1, $4  }
0x10: {  	s14 =	simm.s32 @!p1 $0x2  }
0x11: {  	s12 =	smov.u32 s10;
	_ =	swait.ge @!p1 [sflag:s14], $0x4000  }
0x12: {  	p0 =	por !p0, !p0;
	s11 =	smov.u32 s9;
	[sflag:s14] =	ssyncset.done @!p1 $0x0  }
0x13: {  	s9 =	smov.u32 s13;
	[sflag:s14] =	ssyncadd.s32 @!p1 $0xFFFFC000;
	s10 =	smov.u32 s15  }
.LBB1_1:
0x14: {  	p1 =	sgt.u32 s8, $0x3F  }
0x15: {  	s13 =	sxor.u32 @!p1 $0xFFFFFFFF, s8;
	s14 =	sshll.u32 @!p1 s10, $0xF  }
0x16: {  	s15 =	sshll.u32 @!p1 s9, $0x7;
	s13 =	sshll.u32 @!p1 s13, $0xE;
	s14 =	sadd.s32 @!p1 s2, s14  }
0x17: {  	s13 =	sand.u32 @!p1 $0x4000, s13;
	s14 =	sadd.s32 @!p1 s15, s14;
	s15 =	simm.s32 @!p1 $0x0  }
0x18: {  	[tilespmem:s13], [sflag:$0x1] =	stream.linear.gather @!p1 [hbm4b:s14+s15], $0x4000, $0x38;
	[tilespmem:$0x10000] =	vst v63  }
0x19: {  	p1 =	seq.s32 s8, $0x0  }
0x1a: {  	p2 =	seq.s32 @!p1 s8, $0x41  }
0x1b: {  	p1 =	por p1, p2  }
.Ltmp2:
0x1c: {  	_ = 	snop;
	(pc) =	sbr.rel @p1 .LBB1_7-.Ltmp2, $1  }
0x1d: {  	_ =	sdelay $0x3  }
0x1e: {  	s13 =	simm.s32 $0x1;
	_ =	swait.ge [sflag:s4], $0x4000;
	s16 =	sshll.u32 s8, $0xE  }
0x1f: {  	s13 =	simm.s32 @!p0 $0x0;
	[sflag:s4] =	ssyncset.done $0x0;
	s31 =	sand.u32 $0x4000, s16  }
0x20: {  	s16 =	simm.s32 $0x0;
	s14 =	sshll.u32 s13, $0xE;
	[sflag:s4] =	ssyncadd.s32 $0xFFFFC000  }
0x21: {  	s13 =	sor.u32 $0x8040, s14;
	s15 =	sor.u32 $0x40, s14;
	s14 =	sor.u32 $0x8000, s31  }
.LBB1_3:
0x22: {  	v0 =	vmov s15;
	_ =	sdelay $0x3  }
0x23: {  	s18 =	simm.s32 $0x0  }
0x24: {  	v6 =	vld.idx.msk [tilespmem:v0+s18+$0x30 ss:$0x1], $0xffff  }
0x25: {  	v7 =	vld.idx.msk [tilespmem:v0+s18+$0xFFFFFFC0 ss:$0x1], $0xffff  }
0x26: {  	v5 =	vld.idx.msk [tilespmem:v0+s18+$0xFFFFFFD0 ss:$0x1], $0xffff  }
0x27: {  	v4 =	vld.idx.msk [tilespmem:v0+s18+$0xFFFFFFE0 ss:$0x1], $0xffff  }
0x28: {  	v3 =	vld.idx.msk [tilespmem:v0+s18+$0xFFFFFFF0 ss:$0x1], $0xffff  }
0x29: {  	v1 =	vld.idx.msk [tilespmem:v0+s18+$0x0 ss:$0x1], $0xffff  }
0x2a: {  	v2 =	vld.idx.msk [tilespmem:v0+s18+$0x10 ss:$0x1], $0xffff;
	[tilespmem:s13+$0x30] =	vst v6  }
0x2b: {  	s17 =	simm.s32 $0x80;
	s19 =	simm.s32 $0x400;
	[tilespmem:s13+$0xFFFFFFC0] =	vst v7;
	v6 =	vld.idx.msk [tilespmem:v0+s18+$0x20 ss:$0x1], $0xffff;
	s18 =	smov.u32 s13  }
.LBB1_4:
0x2c: {  	p1 =	sne.s32 s19, $0xE00;
	v7 =	vld.idx.msk [tilespmem:v0+s17+$0x30 ss:$0x1], $0xffff;
	[tilespmem:s18+$0xFFFFFFD0] =	vst v5  }
0x2d: {  	v8 =	vld.idx.msk [tilespmem:v0+s17+$0xFFFFFFC0 ss:$0x1], $0xffff;
	[tilespmem:s18+$0xFFFFFFE0] =	vst v4  }
0x2e: {  	v5 =	vld.idx.msk [tilespmem:v0+s17+$0xFFFFFFD0 ss:$0x1], $0xffff;
	[tilespmem:s18+$0xFFFFFFF0] =	vst v3  }
.Ltmp3:
0x2f: {  	v4 =	vld.idx.msk [tilespmem:v0+s17+$0xFFFFFFE0 ss:$0x1], $0xffff;
	[tilespmem:s18+$0x0] =	vst v1;
	(pc) =	sbr.rel @p1 .LBB1_4-.Ltmp3, $4  }
0x30: {  	v3 =	vld.idx.msk [tilespmem:v0+s17+$0xFFFFFFF0 ss:$0x1], $0xffff;
	[tilespmem:s18+$0x10] =	vst v2  }
0x31: {  	v1 =	vld.idx.msk [tilespmem:v0+s17+$0x0 ss:$0x1], $0xffff;
	[tilespmem:s18+$0x20] =	vst v6;
	s18 =	sadd.s32 $0x800, s18  }
0x32: {  	v2 =	vld.idx.msk [tilespmem:v0+s17+$0x10 ss:$0x1], $0xffff;
	[tilespmem:s18+$0x30] =	vst v7  }
0x33: {  	[tilespmem:s18+$0xFFFFFFC0] =	vst v8;
	v6 =	vld.idx.msk [tilespmem:v0+s17+$0x20 ss:$0x1], $0xffff;
	s17 =	sshra.s32 s19, $0x2;
	s19 =	sadd.s32 $0x200, s19  }
0x34: {  	_ =	sdelay $0x2  }
0x35: {  	[tilespmem:s18+$0xFFFFFFD0] =	vst v5  }
0x36: {  	v56 =	vld.idx.msk [tilespmem:v0+s17+$0x30 ss:$0x1], $0xffff;
	[tilespmem:s18+$0xFFFFFFE0] =	vst v4  }
0x37: {  	v57 =	vld.idx.msk [tilespmem:v0+s17+$0xFFFFFFC0 ss:$0x1], $0xffff;
	[tilespmem:s18+$0xFFFFFFF0] =	vst v3  }
0x38: {  	v58 =	vld.idx.msk [tilespmem:v0+s17+$0xFFFFFFD0 ss:$0x1], $0xffff;
	[tilespmem:s18+$0x0] =	vst v1  }
0x39: {  	v59 =	vld.idx.msk [tilespmem:v0+s17+$0xFFFFFFE0 ss:$0x1], $0xffff;
	[tilespmem:s18+$0x10] =	vst v2  }
0x3a: {  	v60 =	vld.idx.msk [tilespmem:v0+s17+$0xFFFFFFF0 ss:$0x1], $0xffff;
	s31 =	sadd.s32 $0x800, s18;
	[tilespmem:s18+$0x20] =	vst v6  }
0x3b: {  	v61 =	vld.idx.msk [tilespmem:v0+s17+$0x0 ss:$0x1], $0xffff;
	[tilespmem:s31+$0x30] =	vst v56  }
0x3c: {  	v62 =	vld.idx.msk [tilespmem:v0+s17+$0x10 ss:$0x1], $0xffff;
	s16 =	sadd.s32 $0x1, s16;
	[tilespmem:s31+$0xFFFFFFC0] =	vst v57  }
0x3d: {  	v63 =	vld.idx.msk [tilespmem:v0+s17+$0x20 ss:$0x1], $0xffff;
	p1 =	sne.s32 s16, $0x10;
	[tilespmem:s31+$0xFFFFFFD0] =	vst v58  }
.Ltmp4:
0x3e: {  	[tilespmem:s31+$0xFFFFFFE0] =	vst v59;
	(pc) =	sbr.rel @p1 .LBB1_3-.Ltmp4, $4  }
0x3f: {  	[tilespmem:s31+$0xFFFFFFF0] =	vst v60  }
0x40: {  	[tilespmem:s31+$0x0] =	vst v61  }
0x41: {  	[tilespmem:s31+$0x10] =	vst v62  }
0x42: {  	s13 =	sadd.s32 $0x80, s13;
	s15 =	sadd.s32 $0x400, s15;
	[tilespmem:s31+$0x20] =	vst v63  }
.Ltmp5:
0x43: {  	(pc) =	sbr.rel .LBB1_7-.Ltmp5, $4  }
0x44: {  	s12 =	sshll.u32 s12, $0xF;
	s11 =	sshll.u32 s11, $0x4  }
0x45: {  	s11 =	sand.u32 $0xFF0, s11;
	s12 =	sadd.s32 s3, s12  }
0x46: {  	s11 =	sadd.s32 s11, s12  }
0x47: {  	[hbm4b:s11+s6] =	stream.strided.scatter [tilespmem:s14], [sflag:$0x2], $0x4000, s7, s6, $0x38;
	[tilespmem:$0x10000] =	vst v63  }
.LBB1_8:
0x48: {  	_ =	sfence.sel $0x180000  }
0x49: {  	s2 =	simm.s32 $0x1;
	[bflag:$0x0] =	sbarrier.arrive $0xFFFF  }
0x4a: {  	s31 =	simm.s32 $0x2;
	[sflag:s2] =	ssyncpa.u1 $0x1  }
0x4b: {  	[sflag:s31] =	ssyncpa.u1 $0x1  }
0x4c: {  	p0 =	sne.s32 s1, $0x0;
	_ =	strace $0x90000047  }
0x4d: {  	s0 =	sadd.s32 @!p0 $0x100000, s0;
	[bflag:$0x2] =	sbarrier.arrive $0xFFFF  }
0x4e: {  	[sflag:s0] =	ssyncadd.tile.s32 @!p0 $0x1;
	_ =	shalt  }
.Lfunc_end1:
_tile_overlayer_lowered:
.L_overlay_start_2:
0x4f: {  	(tag) =	ssettag $0x2  }
0x50: {  	s0 =	rddreg [dreg:$0x0];
	s2 =	stileid.u32  }
0x51: {  	s1 =	rddreg [dreg:$0x1];
	p0 =	sne.s32 s2, $0x0  }
0x52: {  	s3 =	rddreg [dreg:$0x2];
	[bflag:$0x3] =	sbarrier.arrive $0xFFFF;
	s2 =	simm.s32 @!p0 $0x1C01  }
0x53: {  	[timem:s3], [sflag:s2] =	dma.local @!p0 [hbm:s0], s1  }
0x54: {  	s0 =	simm.s32 @!p0 $0x1  }
0x55: {  	_ =	swait.ge @!p0 [sflag:s0], s1  }
0x56: {  	s1 =	ssub.s32 @!p0 $0x0, s1;
	[sflag:s0] =	ssyncset.done @!p0 $0x0  }
0x57: {  	[sflag:s0] =	ssyncadd.s32 @!p0 s1  }
0x58: {  	[bflag:$0x3] =	sbarrier.arrive $0xFFFF  }
0x59: {  	_ =	shalt  }

</sc_bundles>
